<compile_context>
chip_gen: v7x
topology: tpu7x:2x2x1
jax: 0.10.2.dev20260603
libtpu: 0.0.44.dev20260713+nightly
codegen_flags: <defaults>
</compile_context>

<pallas_src>
import functools
import math

import jax
import jax.numpy as jnp
from jax import lax
from jax.experimental import pallas as pl
from jax.experimental.pallas import tpu as pltpu
from jax.experimental.pallas import tpu_sc as plsc

_N = 10000
_DIN = 32
_DQ = 16
_DK = 16
_DOUT = 32
_NB = 10
_HID = 16
_R = 0.073
_NW = 32
_SLOT = 10240
_EP = _NW * _SLOT
_NC = 10240
_BR = 200
_BE = 512
_BN = 1000
_C = 1.14136 * (math.e ** 2)


def _soft_unit_step(t):
    safe = jnp.where(t > 0, t, 1.0)
    return jnp.where(t > 0, jnp.exp(-1.0 / safe), 0.0)


def _mask_kernel(pb_ref, post_ref, mask_ref):
    b = pl.program_id(0)
    pb = pb_ref[...]
    post = post_ref[...]
    sqr = jnp.sum(pb * pb, axis=1, keepdims=True)
    sqc = jnp.sum(post * post, axis=0, keepdims=True)
    d2 = sqr + sqc - 2.0 * jnp.dot(pb, post, preferred_element_type=jnp.float32)
    row = lax.broadcasted_iota(jnp.int32, (_BR, _NC), 0) + b * _BR
    col = lax.broadcasted_iota(jnp.int32, (_BR, _NC), 1)
    ok = (d2 < _R * _R) & (col != row) & (col < _N)
    mask_ref[...] = jnp.where(ok, 1.0, 0.0)


def _compact_kernel(maskf, src_out, dst_out, row_v, sidx, sdst, sem):
    w = lax.axis_index("s") * 2 + lax.axis_index("c")
    lanes = lax.iota(jnp.int32, 16)
    zeros16 = jnp.zeros((16,), jnp.int32)

    def zero_body(i, _):
        sidx[pl.ds(i * 16, 16)] = zeros16
        sdst[pl.ds(i * 16, 16)] = zeros16
        return 0

    lax.fori_loop(0, _SLOT // 16, zero_body, 0)

    def row_body(i, fill):
        r = w + _NW * i

        def do_row(fill):
            pltpu.async_copy(maskf.at[r], row_v, sem).wait()

            def chunk_body(c, fill):
                mv = row_v[pl.ds(c * 16, 16)]
                mi = mv.astype(jnp.int32)
                cnt = jnp.sum(mi)

                def write(fill):
                    cs = plsc.cumsum(mi)
                    pos = jnp.minimum(fill + cs - 1, _SLOT - 1)
                    mok = mv != 0.0
                    colv = c * 16 + lanes
                    plsc.store_scatter(sidx, [pos], colv, mask=mok)
                    plsc.store_scatter(
                        sdst, [pos], jnp.full((16,), r, jnp.int32), mask=mok)
                    return fill + cnt

                return lax.cond(cnt > 0, write, lambda f: f, fill)

            return lax.fori_loop(0, _NC // 16, chunk_body, fill)

        return lax.cond(r < _N, do_row, lambda f: f, fill)

    lax.fori_loop(0, (_N + _NW - 1) // _NW, row_body, jnp.int32(0))

    pltpu.sync_copy(sidx, src_out.at[pl.ds(w * _SLOT, _SLOT)])
    pltpu.sync_copy(sdst, dst_out.at[pl.ds(w * _SLOT, _SLOT)])


def _prep_kernel(x_ref, wqd_ref, qd_ref):
    qd_ref[...] = jnp.dot(x_ref[...], wqd_ref[...],
                          preferred_element_type=jnp.float32)


def _edge_kernel(gs_ref, gd_ref, w1_ref, wbig_ref, out_ref):
    gs = gs_ref[...]
    gd = gd_ref[...]
    xs = gs[:, :32]
    ps = gs[:, 32:35]
    qd = gd[:, :16]
    pd = gd[:, 16:19]

    d = ps - pd
    d2 = jnp.sum(d * d, axis=1, keepdims=True)
    el = jnp.sqrt(d2)
    step = _R / (_NB + 1)
    m = (lax.broadcasted_iota(jnp.int32, (_BE, _NB), 1) + 1).astype(jnp.float32)
    diff = el / step - m
    emb = (_C * (_NB ** 0.5)) * _soft_unit_step(diff + 1.0) * _soft_unit_step(1.0 - diff)
    cutoff = _soft_unit_step(10.0 * (1.0 - el / _R))

    emb16 = jnp.concatenate(
        [emb, jnp.zeros((_BE, _HID - _NB), jnp.float32)], axis=1)
    h = jnp.dot(emb16, w1_ref[...], preferred_element_type=jnp.float32)
    h = h * jax.nn.sigmoid(h)
    hk = h[:, :_HID]
    hv = h[:, _HID:]

    u = jnp.dot(xs, wbig_ref[...], preferred_element_type=jnp.float32)
    k = jnp.zeros((_BE, _DK), jnp.float32)
    v = jnp.zeros((_BE, _DOUT), jnp.float32)
    for hh in range(_HID):
        k = k + hk[:, hh:hh + 1] * u[:, hh * _DK:(hh + 1) * _DK]
        v = v + hv[:, hh:hh + 1] * u[:, _HID * _DK + hh * _DOUT:
                                      _HID * _DK + (hh + 1) * _DOUT]

    logit = jnp.sum(qd * k, axis=1, keepdims=True)
    expv = jnp.where(d2 > 0.0, cutoff * jnp.exp(logit), 0.0)
    sv = jnp.sqrt(expv) * v
    out_ref[...] = jnp.concatenate(
        [sv, expv, jnp.zeros((_BE, 31), jnp.float32)], axis=1)


def _finalize_kernel(parts_ref, out_ref):
    p = jnp.sum(parts_ref[...], axis=0)
    z = p[:, 32:33]
    z = jnp.where(z == 0.0, 1.0, z)
    out_ref[...] = p[:, :32] * jax.lax.rsqrt(z)


def kernel(x, pos, Wq, W1k, W2k, W1v, W2v, Wd):
    post = jnp.concatenate(
        [pos.T, jnp.zeros((3, _NC - _N), jnp.float32)], axis=1)
    maskf = pl.pallas_call(
        _mask_kernel,
        grid=(_N // _BR,),
        in_specs=[
            pl.BlockSpec((_BR, 3), lambda b: (b, 0)),
            pl.BlockSpec((3, _NC), lambda b: (0, 0)),
        ],
        out_specs=pl.BlockSpec((_BR, _NC), lambda b: (b, 0)),
        out_shape=jax.ShapeDtypeStruct((_N, _NC), jnp.float32),
    )(pos, post)

    compact = functools.partial(
        pl.kernel,
        mesh=plsc.VectorSubcoreMesh(core_axis_name="c", subcore_axis_name="s"),
        compiler_params=pltpu.CompilerParams(needs_layout_passes=False),
        out_type=[
            jax.ShapeDtypeStruct((_EP,), jnp.int32),
            jax.ShapeDtypeStruct((_EP,), jnp.int32),
        ],
        scratch_types=[
            pltpu.VMEM((_NC,), jnp.float32),
            pltpu.VMEM((_SLOT,), jnp.int32),
            pltpu.VMEM((_SLOT,), jnp.int32),
            pltpu.SemaphoreType.DMA,
        ],
    )(_compact_kernel)
    src, dst = compact(maskf)

    w1 = jnp.zeros((_HID, 2 * _HID), jnp.float32)
    w1 = w1.at[:_NB, :_HID].set(W1k / math.sqrt(_NB))
    w1 = w1.at[:_NB, _HID:].set(W1v / math.sqrt(_NB))
    bk = W2k.reshape(_HID, _DIN, _DK).transpose(1, 0, 2).reshape(_DIN, _HID * _DK)
    bv = W2v.reshape(_HID, _DIN, _DOUT).transpose(1, 0, 2).reshape(_DIN, _HID * _DOUT)
    wbig = jnp.concatenate([bk, bv], axis=1) / (math.sqrt(_HID) * math.sqrt(_DIN))
    wqd = (Wq @ Wd) / (math.sqrt(_DIN) * math.sqrt(_DQ * _DK))

    qd = pl.pallas_call(
        _prep_kernel,
        grid=(_N // _BN,),
        in_specs=[
            pl.BlockSpec((_BN, _DIN), lambda b: (b, 0)),
            pl.BlockSpec((_DIN, _DK), lambda b: (0, 0)),
        ],
        out_specs=pl.BlockSpec((_BN, _DK), lambda b: (b, 0)),
        out_shape=jax.ShapeDtypeStruct((_N, _DK), jnp.float32),
    )(x, wqd)

    table_s = jnp.concatenate([x, pos, jnp.zeros((_N, 13), jnp.float32)], axis=1)
    table_d = jnp.concatenate([qd, pos, jnp.zeros((_N, 13), jnp.float32)], axis=1)
    gs = jnp.take(table_s, src, axis=0)
    gd = jnp.take(table_d, dst, axis=0)

    contrib = pl.pallas_call(
        _edge_kernel,
        grid=(_EP // _BE,),
        in_specs=[
            pl.BlockSpec((_BE, 48), lambda b: (b, 0)),
            pl.BlockSpec((_BE, 32), lambda b: (b, 0)),
            pl.BlockSpec((_HID, 2 * _HID), lambda b: (0, 0)),
            pl.BlockSpec((_DIN, _HID * (_DK + _DOUT)), lambda b: (0, 0)),
        ],
        out_specs=pl.BlockSpec((_BE, 64), lambda b: (b, 0)),
        out_shape=jax.ShapeDtypeStruct((_EP, 64), jnp.float32),
    )(gs, gd, w1, wbig)

    acc = jax.ops.segment_sum(contrib, dst, num_segments=_N)
    parts = acc[None]

    out = pl.pallas_call(
        _finalize_kernel,
        grid=(_N // _BN,),
        in_specs=[pl.BlockSpec((1, _BN, 64), lambda b: (0, b, 0))],
        out_specs=pl.BlockSpec((_BN, _DOUT), lambda b: (b, 0)),
        out_shape=jax.ShapeDtypeStruct((_N, _DOUT), jnp.float32),
    )(parts)
    return out

# --- scband reference (transcript-rebuilt; emitter-appended) ---
"""Pipeline reference for scband-graph-self-attention-43645457662514 (READ-ONLY COPY).

The authoritative reference and input builder live on the scoring server;
editing this copy changes nothing except your own understanding.
"""

import math
import jax, jax.numpy as jnp
import numpy as np

N = 10000
D_IN = 32
D_Q = 16
D_K = 16
D_OUT = 32
NB = 10
HID = 16
MAX_R = 0.073
MAX_EDGES = 32 * N


def soft_unit_step(x):
    safe = jnp.where(x > 0, x, 1.0)
    return jnp.where(x > 0, jnp.exp(-1.0 / safe), 0.0)


def soft_one_hot_smooth_finite(x, start, end, number):
    values = jnp.linspace(start, end, number + 2)
    step = values[1] - values[0]
    values = values[1:-1]
    diff = (x[:, None] - values[None, :]) / step
    return 1.14136 * (math.e ** 2) * soft_unit_step(diff + 1.0) * soft_unit_step(1.0 - diff)


def spherical_harmonics_l0to3(u):
    x = u[:, 0]; y = u[:, 1]; z = u[:, 2]
    sh0 = jnp.ones_like(x)
    c1 = math.sqrt(3.0)
    comps = [sh0, c1 * x, c1 * y, c1 * z]
    c2 = math.sqrt(15.0)
    comps += [c2 * x * z, c2 * x * y, (math.sqrt(5.0) / 2.0) * (3.0 * y * y - 1.0), c2 * y * z, (c2 / 2.0) * (z * z - x * x)]
    comps += [
        (math.sqrt(70.0) / 4.0) * y * (3.0 * x * x - y * y),
        math.sqrt(105.0) * x * y * z,
        (math.sqrt(42.0) / 4.0) * y * (5.0 * z * z - 1.0),
        (math.sqrt(7.0) / 2.0) * (5.0 * z ** 3 - 3.0 * z),
        (math.sqrt(42.0) / 4.0) * x * (5.0 * z * z - 1.0),
        (math.sqrt(105.0) / 2.0) * z * (x * x - y * y),
        (math.sqrt(70.0) / 4.0) * x * (x * x - 3.0 * y * y),
    ]
    return jnp.stack(comps, axis=1)


def radius_graph(pos, r):
    sq = jnp.sum(pos * pos, axis=1)
    d2 = sq[:, None] + sq[None, :] - 2.0 * (pos @ pos.T)
    mask = (d2 < r * r) & (~jnp.eye(pos.shape[0], dtype=bool))
    src, dst = jnp.nonzero(mask, size=MAX_EDGES, fill_value=0)
    return src, dst, mask[src, dst]


def setup_inputs(seed: int = 0):
    key = jax.random.key(seed)
    ks = jax.random.split(key, 8)
    return {
        'x': jax.random.normal(ks[0], (N, D_IN), dtype=jnp.float32),
        'pos': jax.random.uniform(ks[1], (N, 3), dtype=jnp.float32),
        'Wq': jax.random.normal(ks[2], (D_IN, D_Q), dtype=jnp.float32),
        'W1k': jax.random.normal(ks[3], (NB, HID), dtype=jnp.float32),
        'W2k': jax.random.normal(ks[4], (HID, D_IN * D_K), dtype=jnp.float32),
        'W1v': jax.random.normal(ks[5], (NB, HID), dtype=jnp.float32),
        'W2v': jax.random.normal(ks[6], (HID, D_IN * D_OUT), dtype=jnp.float32),
        'Wd': jax.random.normal(ks[7], (D_Q, D_K), dtype=jnp.float32),
    }


def _forward(x, pos, Wq, W1k, W2k, W1v, W2v, Wd, src, dst, valid):
    n = x.shape[0]
    e_vec = pos[src] - pos[dst]
    e_len = jnp.sqrt(jnp.sum(e_vec * e_vec, axis=1))
    emb = soft_one_hot_smooth_finite(e_len, 0.0, MAX_R, NB) * (NB ** 0.5)
    cutoff = soft_unit_step(10.0 * (1.0 - e_len / MAX_R))
    sh = spherical_harmonics_l0to3(e_vec / e_len[:, None])
    # h_q: e3nn Linear on scalar irreps == dense matmul with path normalization
    q = (x @ Wq) / math.sqrt(D_IN)
    # fc_k / fc_v: FullyConnectedNet([NB, 16, weight_numel], silu) generating per-edge TP weights
    hk = jax.nn.silu((emb @ W1k) / math.sqrt(NB))
    wk = ((hk @ W2k) / math.sqrt(HID)).reshape(-1, D_IN, D_K)
    hv = jax.nn.silu((emb @ W1v) / math.sqrt(NB))
    wv = ((hv @ W2v) / math.sqrt(HID)).reshape(-1, D_IN, D_OUT)
    # FullyConnectedTensorProduct with all-scalar in/out irreps: only the l=0 SH
    # component couples (0e x 0e -> 0e); per-edge weighted contraction.
    f_src = x[src] * sh[:, 0:1]
    k = jnp.einsum('ei,eij->ej', f_src, wk) / math.sqrt(D_IN)
    v = jnp.einsum('ei,eij->ej', f_src, wv) / math.sqrt(D_IN)
    # dot: FullyConnectedTensorProduct(q_irreps, k_irreps, '0e')
    logit = jnp.einsum('ei,ej,ij->e', q[dst], k, Wd) / math.sqrt(D_Q * D_K)
    expv = cutoff[:, None] * jnp.exp(logit)[:, None]
    expv = jnp.where(valid[:, None], expv, 0.0)
    z = jax.ops.segment_sum(expv, dst, num_segments=n)
    z = jnp.where(z == 0.0, 1.0, z)
    alpha = expv / z[dst]
    return jax.ops.segment_sum(jnp.sqrt(jax.nn.relu(alpha)) * v, dst, num_segments=n)


def reference(x, pos, Wq, W1k, W2k, W1v, W2v, Wd):
    src, dst, valid = radius_graph(pos, MAX_R)
    return _forward(x, pos, Wq, W1k, W2k, W1v, W2v, Wd, src, dst, valid)

if __name__ == "__main__":
    import jax
    _d = setup_inputs()
    print(jax.jit(kernel)(*tuple(_d.values())))

</pallas_src>

<mosaic_0001>
#map = affine_map<(d0, d1) -> (0, 0)>
#map1 = affine_map<(d0, d1) -> (0)>
module attributes {stable_mosaic.version = 14 : i64} {
  func.func @_compact_kernel(%arg0: i32, %arg1: i32, %arg2: memref<10000x10240xf32, #tpu.memory_space<hbm>>, %arg3: memref<327680xi32, #tpu.memory_space<hbm>>, %arg4: memref<327680xi32, #tpu.memory_space<hbm>>, %arg5: memref<10240xf32, #tpu.memory_space<vmem>>, %arg6: memref<10240xi32, #tpu.memory_space<vmem>>, %arg7: memref<10240xi32, #tpu.memory_space<vmem>>, %arg8: memref<!tpu.dma_semaphore, #tpu.memory_space<semaphore_mem>>) attributes {dimension_semantics = [#tpu.dimension_semantics<core_parallel>, #tpu.dimension_semantics<subcore_parallel>], iteration_bounds = array<i64: 2, 16>, scalar_prefetch = 0 : i64, scratch_operands = 4 : i64, tpu.core_type = #tpu.core_type<sc_vector_subcore>, window_params = [{transform_indices = #map}, {transform_indices = #map1}, {transform_indices = #map1}]} {
    %mul3A = arith.constant 2 : i32
    %mul3A_0 = arith.muli %arg1, %mul3A : i32
    %add3A = arith.addi %mul3A_0, %arg0 : i32
    %iota3A = tpu.iota {dimensions = array<i32: 0>} : vector<16xi32>
    %broadcast_in_dim3A = arith.constant 0 : i32
    %broadcast_in_dim3A_1 = vector.broadcast %broadcast_in_dim3A : i32 to vector<16xi32>
    %scan3A = arith.constant 0 : i32
    %scan3A_2 = arith.constant 0 : i32
    %scan3A_3 = arith.constant 640 : i32
    %scan3A_4 = arith.addi %scan3A_2, %scan3A_3 : i32
    %scan3A_5 = arith.constant 1 : i32
    %scan3A_6 = scf.for %scan3A_19 = %scan3A_2 to %scan3A_4 step %scan3A_5 iter_args(%scan3A_20 = %scan3A) -> (i32)  : i32 {
      %mul3A_21 = arith.constant 16 : i32
      %mul3A_22 = arith.muli %scan3A_19, %mul3A_21 : i32
      %swap3A = arith.index_cast %mul3A_22 : i32 to index
      %swap3A_23 = tpu.vector_load %arg6[%swap3A] {strides = array<i32>} : memref<10240xi32, #tpu.memory_space<vmem>>, vector<16xi32>,
      tpu.vector_store %arg6[%swap3A], %broadcast_in_dim3A_1 {strides = array<i32>} : memref<10240xi32, #tpu.memory_space<vmem>>, vector<16xi32>,
      %mul3A_24 = arith.constant 16 : i32
      %mul3A_25 = arith.muli %scan3A_19, %mul3A_24 : i32
      %swap3A_26 = arith.index_cast %mul3A_25 : i32 to index
      %swap3A_27 = tpu.vector_load %arg7[%swap3A_26] {strides = array<i32>} : memref<10240xi32, #tpu.memory_space<vmem>>, vector<16xi32>,
      tpu.vector_store %arg7[%swap3A_26], %broadcast_in_dim3A_1 {strides = array<i32>} : memref<10240xi32, #tpu.memory_space<vmem>>, vector<16xi32>,
      %scan3A_28 = arith.constant 0 : i32
      scf.yield %scan3A_28 : i32
    }
    %scan3A_7 = arith.constant 640 : i32
    %scan3A_8 = arith.constant 0 : i32
    %scan3A_9 = arith.constant 0 : i32
    %scan3A_10 = arith.constant 313 : i32
    %scan3A_11 = arith.addi %scan3A_9, %scan3A_10 : i32
    %scan3A_12 = arith.constant 1 : i32
    %scan3A_13 = scf.for %scan3A_19 = %scan3A_9 to %scan3A_11 step %scan3A_12 iter_args(%scan3A_20 = %scan3A_8) -> (i32)  : i32 {
      %mul3A_21 = arith.constant 32 : i32
      %mul3A_22 = arith.muli %mul3A_21, %scan3A_19 : i32
      %add3A_23 = arith.addi %add3A, %mul3A_22 : i32
      %lt3A = arith.constant 10000 : i32
      %lt3A_24 = arith.cmpi slt, %add3A_23, %lt3A : i32
      %convert_element_type3A = arith.extui %lt3A_24 : i1 to i32
      %cond3A = arith.constant 0 : i32
      %cond3A_25 = arith.cmpi ne, %convert_element_type3A, %cond3A : i32
      %cond3A_26 = scf.if %cond3A_25 -> (i32) {
        %dma_start3A = arith.constant 0 : i32
        %dma_start3A_27 = tpu.memref_slice %arg2[%add3A_23, %dma_start3A] : memref<10000x10240xf32, #tpu.memory_space<hbm>> -> memref<1x10240xf32, #tpu.memory_space<hbm>>
        %dma_start3A_28 = tpu.memref_squeeze %dma_start3A_27 : memref<1x10240xf32, #tpu.memory_space<hbm>> -> memref<10240xf32, #tpu.memory_space<hbm>>
        %dma_start3A_29 = arith.constant 0 : i32
        %dma_start3A_30 = tpu.memref_slice %arg2[%add3A_23, %dma_start3A_29] : memref<10000x10240xf32, #tpu.memory_space<hbm>> -> memref<1x10240xf32, #tpu.memory_space<hbm>>
        %dma_start3A_31 = tpu.memref_squeeze %dma_start3A_30 : memref<1x10240xf32, #tpu.memory_space<hbm>> -> memref<10240xf32, #tpu.memory_space<hbm>>
        tpu.enqueue_dma source(%dma_start3A_31 : memref<10240xf32, #tpu.memory_space<hbm>>) target(%arg5 : memref<10240xf32, #tpu.memory_space<vmem>>) target_semaphore(%arg8 : memref<!tpu.dma_semaphore, #tpu.memory_space<semaphore_mem>>)
        %dma_wait3A = arith.constant 0 : i32
        %dma_wait3A_32 = tpu.memref_slice %arg2[%add3A_23, %dma_wait3A] : memref<10000x10240xf32, #tpu.memory_space<hbm>> -> memref<1x10240xf32, #tpu.memory_space<hbm>>
        %dma_wait3A_33 = tpu.memref_squeeze %dma_wait3A_32 : memref<1x10240xf32, #tpu.memory_space<hbm>> -> memref<10240xf32, #tpu.memory_space<hbm>>
        %dma_wait3A_34 = arith.constant 0 : i32
        %dma_wait3A_35 = tpu.memref_slice %arg2[%add3A_23, %dma_wait3A_34] : memref<10000x10240xf32, #tpu.memory_space<hbm>> -> memref<1x10240xf32, #tpu.memory_space<hbm>>
        %dma_wait3A_36 = tpu.memref_squeeze %dma_wait3A_35 : memref<1x10240xf32, #tpu.memory_space<hbm>> -> memref<10240xf32, #tpu.memory_space<hbm>>
        tpu.wait_dma2 semaphore(%arg8 : memref<!tpu.dma_semaphore, #tpu.memory_space<semaphore_mem>>) src(%dma_wait3A_36 : memref<10240xf32, #tpu.memory_space<hbm>>) dst(%arg5 : memref<10240xf32, #tpu.memory_space<vmem>>)
        %scan3A_37 = arith.constant 0 : i32
        %scan3A_38 = arith.constant 640 : i32
        %scan3A_39 = arith.addi %scan3A_37, %scan3A_38 : i32
        %scan3A_40 = arith.constant 1 : i32
        %scan3A_41 = scf.for %scan3A_43 = %scan3A_37 to %scan3A_39 step %scan3A_40 iter_args(%scan3A_44 = %scan3A_20) -> (i32)  : i32 {
          %mul3A_45 = arith.constant 16 : i32
          %mul3A_46 = arith.muli %scan3A_43, %mul3A_45 : i32
          %get3A = arith.index_cast %mul3A_46 : i32 to index
          %get3A_47 = tpu.vector_load %arg5[%get3A] {strides = array<i32>} : memref<10240xf32, #tpu.memory_space<vmem>>, vector<16xf32>,
          %convert_element_type3A_48 = arith.fptosi %get3A_47 : vector<16xf32> to vector<16xi32>
          %reduce_sum3A = arith.constant true
          %reduce_sum3A_49 = vector.broadcast %reduce_sum3A : i1 to vector<16xi1>
          %reduce_sum3A_50 = tpu.scan <sum>, %convert_element_type3A_48 masked %reduce_sum3A_49 : vector<16xi32>, vector<16xi1> -> vector<16xi32>
          %reduce_sum3A_51 = vector.extract %reduce_sum3A_50[15] : i32 from vector<16xi32>
          %gt3A = arith.constant 0 : i32
          %gt3A_52 = arith.cmpi sgt, %reduce_sum3A_51, %gt3A : i32
          %convert_element_type3A_53 = arith.extui %gt3A_52 : i1 to i32
          %cond3A_54 = arith.constant 0 : i32
          %cond3A_55 = arith.cmpi ne, %convert_element_type3A_53, %cond3A_54 : i32
          %cond3A_56 = scf.if %cond3A_55 -> (i32) {
            %broadcast_in_dim3A_57 = arith.constant true
            %broadcast_in_dim3A_58 = vector.broadcast %broadcast_in_dim3A_57 : i1 to vector<16xi1>
            %masked_cumsum3A = tpu.scan <sum>, %convert_element_type3A_48 masked %broadcast_in_dim3A_58 : vector<16xi32>, vector<16xi1> -> vector<16xi32>
            %add3A_59 = vector.broadcast %scan3A_44 : i32 to vector<16xi32>
            %add3A_60 = arith.addi %add3A_59, %masked_cumsum3A : vector<16xi32>
            %sub3A = arith.constant 1 : i32
            %sub3A_61 = vector.broadcast %sub3A : i32 to vector<16xi32>
            %sub3A_62 = arith.subi %add3A_60, %sub3A_61 : vector<16xi32>
            %min3A = arith.constant 10239 : i32
            %min3A_63 = vector.broadcast %min3A : i32 to vector<16xi32>
            %min3A_64 = arith.minsi %sub3A_62, %min3A_63 : vector<16xi32>
            %ne3A = arith.constant 0.000000e+00 : f32
            %ne3A_65 = vector.broadcast %ne3A : f32 to vector<16xf32>
            %ne3A_66 = arith.cmpf one, %get3A_47, %ne3A_65 : vector<16xf32>
            %mul3A_67 = arith.constant 16 : i32
            %mul3A_68 = arith.muli %scan3A_43, %mul3A_67 : i32
            %add3A_69 = vector.broadcast %mul3A_68 : i32 to vector<16xi32>
            %add3A_70 = arith.addi %add3A_69, %iota3A : vector<16xi32>
            tpu.vector_store_idx %arg6[%min3A_64], %add3A_70 masked %ne3A_66 : memref<10240xi32, #tpu.memory_space<vmem>>[vector<16xi32>], vector<16xi32>, vector<16xi1>
            %broadcast_in_dim3A_71 = vector.broadcast %add3A_23 : i32 to vector<16xi32>
            tpu.vector_store_idx %arg7[%min3A_64], %broadcast_in_dim3A_71 masked %ne3A_66 : memref<10240xi32, #tpu.memory_space<vmem>>[vector<16xi32>], vector<16xi32>, vector<16xi1>
            %add3A_72 = arith.addi %scan3A_44, %reduce_sum3A_51 : i32
            scf.yield %add3A_72 : i32
          } else {
            scf.yield %scan3A_44 : i32
          }
          scf.yield %cond3A_56 : i32
        }
        %scan3A_42 = arith.constant 640 : i32
        scf.yield %scan3A_41 : i32
      } else {
        scf.yield %scan3A_20 : i32
      }
      scf.yield %cond3A_26 : i32
    }
    %scan3A_14 = arith.constant 313 : i32
    %mul3A_15 = arith.constant 10240 : i32
    %mul3A_16 = arith.muli %add3A, %mul3A_15 : i32
    "tpu.region"() ({
      %run_scoped3A = tpu.sem_alloc : memref<!tpu.dma_semaphore, #tpu.memory_space<semaphore_mem>>
      %dma_start3A = tpu.memref_slice %arg3[%mul3A_16] : memref<327680xi32, #tpu.memory_space<hbm>> -> memref<10240xi32, #tpu.memory_space<hbm>>
      %dma_start3A_19 = tpu.memref_slice %arg3[%mul3A_16] : memref<327680xi32, #tpu.memory_space<hbm>> -> memref<10240xi32, #tpu.memory_space<hbm>>
      tpu.enqueue_dma source(%arg6 : memref<10240xi32, #tpu.memory_space<vmem>>) target(%dma_start3A_19 : memref<10240xi32, #tpu.memory_space<hbm>>) target_semaphore(%run_scoped3A : memref<!tpu.dma_semaphore, #tpu.memory_space<semaphore_mem>>)
      %dma_wait3A = tpu.memref_slice %arg3[%mul3A_16] : memref<327680xi32, #tpu.memory_space<hbm>> -> memref<10240xi32, #tpu.memory_space<hbm>>
      %dma_wait3A_20 = tpu.memref_slice %arg3[%mul3A_16] : memref<327680xi32, #tpu.memory_space<hbm>> -> memref<10240xi32, #tpu.memory_space<hbm>>
      tpu.wait_dma2 semaphore(%run_scoped3A : memref<!tpu.dma_semaphore, #tpu.memory_space<semaphore_mem>>) src(%arg6 : memref<10240xi32, #tpu.memory_space<vmem>>) dst(%dma_wait3A_20 : memref<10240xi32, #tpu.memory_space<hbm>>)
      tpu.yield
    }) : () -> ()
    %mul3A_17 = arith.constant 10240 : i32
    %mul3A_18 = arith.muli %add3A, %mul3A_17 : i32
    "tpu.region"() ({
      %run_scoped3A = tpu.sem_alloc : memref<!tpu.dma_semaphore, #tpu.memory_space<semaphore_mem>>
      %dma_start3A = tpu.memref_slice %arg4[%mul3A_18] : memref<327680xi32, #tpu.memory_space<hbm>> -> memref<10240xi32, #tpu.memory_space<hbm>>
      %dma_start3A_19 = tpu.memref_slice %arg4[%mul3A_18] : memref<327680xi32, #tpu.memory_space<hbm>> -> memref<10240xi32, #tpu.memory_space<hbm>>
      tpu.enqueue_dma source(%arg7 : memref<10240xi32, #tpu.memory_space<vmem>>) target(%dma_start3A_19 : memref<10240xi32, #tpu.memory_space<hbm>>) target_semaphore(%run_scoped3A : memref<!tpu.dma_semaphore, #tpu.memory_space<semaphore_mem>>)
      %dma_wait3A = tpu.memref_slice %arg4[%mul3A_18] : memref<327680xi32, #tpu.memory_space<hbm>> -> memref<10240xi32, #tpu.memory_space<hbm>>
      %dma_wait3A_20 = tpu.memref_slice %arg4[%mul3A_18] : memref<327680xi32, #tpu.memory_space<hbm>> -> memref<10240xi32, #tpu.memory_space<hbm>>
      tpu.wait_dma2 semaphore(%run_scoped3A : memref<!tpu.dma_semaphore, #tpu.memory_space<semaphore_mem>>) src(%arg7 : memref<10240xi32, #tpu.memory_space<vmem>>) dst(%dma_wait3A_20 : memref<10240xi32, #tpu.memory_space<hbm>>)
      tpu.yield
    }) : () -> ()
    return
  }
}

module attributes {stable_mosaic.version = 14 : i64} {
  func.func @_mask_kernel(%arg0: i32, %arg1: memref<200x3xf32, #tpu.memory_space<vmem>>, %arg2: memref<3x10240xf32, #tpu.memory_space<vmem>>, %arg3: memref<200x10240xf32, #tpu.memory_space<vmem>>) attributes {dimension_semantics = [#tpu.dimension_semantics<arbitrary>], iteration_bounds = array<i64: 50>, scalar_prefetch = 0 : i64, scratch_operands = 0 : i64, tpu.core_type = #tpu.core_type<tc>, window_params = [{transform_indices = @transform_0, window_bounds = array<i64: 200, 3>}, {pipeline_mode = #tpu.pipeline_mode<synchronous>, transform_indices = @transform_1, window_bounds = array<i64: 3, 10240>}, {transform_indices = @transform_2, window_bounds = array<i64: 200, 10240>}]} {
    %get3A = arith.constant 0 : index
    %get3A_0 = arith.constant 0 : index
    %get3A_1 = vector.load %arg1[%get3A, %get3A_0] : memref<200x3xf32, #tpu.memory_space<vmem>>, vector<200x3xf32>
    %get3A_2 = arith.constant 0 : index
    %get3A_3 = arith.constant 0 : index
    %get3A_4 = vector.load %arg2[%get3A_2, %get3A_3] : memref<3x10240xf32, #tpu.memory_space<vmem>>, vector<3x10240xf32>
    %mul3A = arith.mulf %get3A_1, %get3A_1 : vector<200x3xf32>
    %reduce_sum3A = arith.constant dense<0.000000e+00> : vector<200xf32>
    %reduce_sum3A_5 = vector.multi_reduction <add>, %mul3A, %reduce_sum3A [1] : vector<200x3xf32> to vector<200xf32>
    %broadcast_in_dim3A = vector.shape_cast %reduce_sum3A_5 : vector<200xf32> to vector<200x1xf32>
    %mul3A_6 = arith.mulf %get3A_4, %get3A_4 : vector<3x10240xf32>
    %reduce_sum3A_7 = arith.constant dense<0.000000e+00> : vector<10240xf32>
    %reduce_sum3A_8 = vector.multi_reduction <add>, %mul3A_6, %reduce_sum3A_7 [0] : vector<3x10240xf32> to vector<10240xf32>
    %broadcast_in_dim3A_9 = vector.shape_cast %reduce_sum3A_8 : vector<10240xf32> to vector<1x10240xf32>
    %add3A = vector.broadcast %broadcast_in_dim3A : vector<200x1xf32> to vector<200x10240xf32>
    %add3A_10 = vector.broadcast %broadcast_in_dim3A_9 : vector<1x10240xf32> to vector<200x10240xf32>
    %add3A_11 = arith.addf %add3A, %add3A_10 : vector<200x10240xf32>
    %dot_general3A = arith.constant dense<0.000000e+00> : vector<200x10240xf32>
    %dot_general3A_12 = tpu.matmul %get3A_1, %get3A_4, %dot_general3A {dimension_numbers = #tpu.dot_dimension_numbers<[1], [0], [0], [1], [0, 0, 1, 1], [], []>, transpose_lhs_hint = false} : vector<200x3xf32>, vector<3x10240xf32>, vector<200x10240xf32> -> vector<200x10240xf32>
    %mul3A_13 = arith.constant 2.000000e+00 : f32
    %mul3A_14 = vector.broadcast %mul3A_13 : f32 to vector<200x10240xf32>
    %mul3A_15 = arith.mulf %mul3A_14, %dot_general3A_12 : vector<200x10240xf32>
    %sub3A = arith.subf %add3A_11, %mul3A_15 : vector<200x10240xf32>
    %iota3A = tpu.iota {dimensions = array<i32: 0>} : vector<200x10240xi32>
    %mul3A_16 = arith.constant 200 : i32
    %mul3A_17 = arith.muli %arg0, %mul3A_16 : i32
    %add3A_18 = vector.broadcast %mul3A_17 : i32 to vector<200x10240xi32>
    %add3A_19 = arith.addi %iota3A, %add3A_18 : vector<200x10240xi32>
    %iota3A_20 = tpu.iota {dimensions = array<i32: 1>} : vector<200x10240xi32>
    %lt3A = arith.constant 5.329000e-03 : f32
    %lt3A_21 = vector.broadcast %lt3A : f32 to vector<200x10240xf32>
    %lt3A_22 = arith.cmpf olt, %sub3A, %lt3A_21 : vector<200x10240xf32>
    %ne3A = arith.cmpi ne, %iota3A_20, %add3A_19 : vector<200x10240xi32>
    %and3A = arith.andi %lt3A_22, %ne3A : vector<200x10240xi1>
    %lt3A_23 = arith.constant 10000 : i32
    %lt3A_24 = vector.broadcast %lt3A_23 : i32 to vector<200x10240xi32>
    %lt3A_25 = arith.cmpi slt, %iota3A_20, %lt3A_24 : vector<200x10240xi32>
    %and3A_26 = arith.andi %and3A, %lt3A_25 : vector<200x10240xi1>
    %jit3A = arith.constant 1.000000e+00 : f32
    %jit3A_27 = arith.constant 0.000000e+00 : f32
    %broadcast_in_dim3A_28 = vector.broadcast %jit3A : f32 to vector<200x10240xf32>
    %broadcast_in_dim3A_29 = vector.broadcast %jit3A_27 : f32 to vector<200x10240xf32>
    %select_n3A = arith.select %and3A_26, %broadcast_in_dim3A_28, %broadcast_in_dim3A_29 : vector<200x10240xi1>, vector<200x10240xf32>
    %swap3A = arith.constant 0 : index
    %swap3A_30 = arith.constant 0 : index
    %swap3A_31 = vector.load %arg3[%swap3A, %swap3A_30] : memref<200x10240xf32, #tpu.memory_space<vmem>>, vector<200x10240xf32>
    tpu.vector_store %arg3[%swap3A, %swap3A_30], %select_n3A {strides = array<i32>} : memref<200x10240xf32, #tpu.memory_space<vmem>>, vector<200x10240xf32>,
    return
  }
  func.func @transform_0(%arg0: i32) -> (i32, i32) {
    %c0_i32 = arith.constant 0 : i32
    %c0_i32_0 = arith.constant 0 : i32
    return %arg0, %c0_i32 : i32, i32
  }
  func.func @transform_1(%arg0: i32) -> (i32, i32) {
    %c0_i32 = arith.constant 0 : i32
    %c0_i32_0 = arith.constant 0 : i32
    %c0_i32_1 = arith.constant 0 : i32
    return %c0_i32, %c0_i32_0 : i32, i32
  }
  func.func @transform_2(%arg0: i32) -> (i32, i32) {
    %c0_i32 = arith.constant 0 : i32
    %c0_i32_0 = arith.constant 0 : i32
    return %arg0, %c0_i32 : i32, i32
  }
}

module attributes {stable_mosaic.version = 14 : i64} {
  func.func @_prep_kernel(%arg0: i32, %arg1: memref<1000x32xf32, #tpu.memory_space<vmem>>, %arg2: memref<32x16xf32, #tpu.memory_space<vmem>>, %arg3: memref<1000x16xf32, #tpu.memory_space<vmem>>) attributes {dimension_semantics = [#tpu.dimension_semantics<arbitrary>], iteration_bounds = array<i64: 10>, scalar_prefetch = 0 : i64, scratch_operands = 0 : i64, tpu.core_type = #tpu.core_type<tc>, window_params = [{transform_indices = @transform_0, window_bounds = array<i64: 1000, 32>}, {pipeline_mode = #tpu.pipeline_mode<synchronous>, transform_indices = @transform_1, window_bounds = array<i64: 32, 16>}, {transform_indices = @transform_2, window_bounds = array<i64: 1000, 16>}]} {
    %get3A = arith.constant 0 : index
    %get3A_0 = arith.constant 0 : index
    %get3A_1 = vector.load %arg1[%get3A, %get3A_0] : memref<1000x32xf32, #tpu.memory_space<vmem>>, vector<1000x32xf32>
    %get3A_2 = arith.constant 0 : index
    %get3A_3 = arith.constant 0 : index
    %get3A_4 = vector.load %arg2[%get3A_2, %get3A_3] : memref<32x16xf32, #tpu.memory_space<vmem>>, vector<32x16xf32>
    %dot_general3A = arith.constant dense<0.000000e+00> : vector<1000x16xf32>
    %dot_general3A_5 = tpu.matmul %get3A_1, %get3A_4, %dot_general3A {dimension_numbers = #tpu.dot_dimension_numbers<[1], [0], [0], [1], [0, 0, 1, 1], [], []>, transpose_lhs_hint = false} : vector<1000x32xf32>, vector<32x16xf32>, vector<1000x16xf32> -> vector<1000x16xf32>
    %swap3A = arith.constant 0 : index
    %swap3A_6 = arith.constant 0 : index
    %swap3A_7 = vector.load %arg3[%swap3A, %swap3A_6] : memref<1000x16xf32, #tpu.memory_space<vmem>>, vector<1000x16xf32>
    tpu.vector_store %arg3[%swap3A, %swap3A_6], %dot_general3A_5 {strides = array<i32>} : memref<1000x16xf32, #tpu.memory_space<vmem>>, vector<1000x16xf32>,
    return
  }
  func.func @transform_0(%arg0: i32) -> (i32, i32) {
    %c0_i32 = arith.constant 0 : i32
    %c0_i32_0 = arith.constant 0 : i32
    return %arg0, %c0_i32 : i32, i32
  }
  func.func @transform_1(%arg0: i32) -> (i32, i32) {
    %c0_i32 = arith.constant 0 : i32
    %c0_i32_0 = arith.constant 0 : i32
    %c0_i32_1 = arith.constant 0 : i32
    return %c0_i32, %c0_i32_0 : i32, i32
  }
  func.func @transform_2(%arg0: i32) -> (i32, i32) {
    %c0_i32 = arith.constant 0 : i32
    %c0_i32_0 = arith.constant 0 : i32
    return %arg0, %c0_i32 : i32, i32
  }
}

module attributes {stable_mosaic.version = 14 : i64} {
  func.func @_edge_kernel(%arg0: i32, %arg1: memref<512x48xf32, #tpu.memory_space<vmem>>, %arg2: memref<512x32xf32, #tpu.memory_space<vmem>>, %arg3: memref<16x32xf32, #tpu.memory_space<vmem>>, %arg4: memref<32x768xf32, #tpu.memory_space<vmem>>, %arg5: memref<512x64xf32, #tpu.memory_space<vmem>>) attributes {dimension_semantics = [#tpu.dimension_semantics<arbitrary>], iteration_bounds = array<i64: 640>, scalar_prefetch = 0 : i64, scratch_operands = 0 : i64, tpu.core_type = #tpu.core_type<tc>, window_params = [{transform_indices = @transform_0, window_bounds = array<i64: 512, 48>}, {transform_indices = @transform_1, window_bounds = array<i64: 512, 32>}, {pipeline_mode = #tpu.pipeline_mode<synchronous>, transform_indices = @transform_2, window_bounds = array<i64: 16, 32>}, {pipeline_mode = #tpu.pipeline_mode<synchronous>, transform_indices = @transform_3, window_bounds = array<i64: 32, 768>}, {transform_indices = @transform_4, window_bounds = array<i64: 512, 64>}]} {
    %get3A = arith.constant 0 : index
    %get3A_0 = arith.constant 0 : index
    %get3A_1 = vector.load %arg1[%get3A, %get3A_0] : memref<512x48xf32, #tpu.memory_space<vmem>>, vector<512x48xf32>
    %get3A_2 = arith.constant 0 : index
    %get3A_3 = arith.constant 0 : index
    %get3A_4 = vector.load %arg2[%get3A_2, %get3A_3] : memref<512x32xf32, #tpu.memory_space<vmem>>, vector<512x32xf32>
    %slice3A = vector.extract_strided_slice %get3A_1 {offsets = [0, 0], sizes = [512, 32], strides = [1, 1]} : vector<512x48xf32> to vector<512x32xf32>
    %slice3A_5 = vector.extract_strided_slice %get3A_1 {offsets = [0, 32], sizes = [512, 3], strides = [1, 1]} : vector<512x48xf32> to vector<512x3xf32>
    %slice3A_6 = vector.extract_strided_slice %get3A_4 {offsets = [0, 0], sizes = [512, 16], strides = [1, 1]} : vector<512x32xf32> to vector<512x16xf32>
    %slice3A_7 = vector.extract_strided_slice %get3A_4 {offsets = [0, 16], sizes = [512, 3], strides = [1, 1]} : vector<512x32xf32> to vector<512x3xf32>
    %sub3A = arith.subf %slice3A_5, %slice3A_7 : vector<512x3xf32>
    %mul3A = arith.mulf %sub3A, %sub3A : vector<512x3xf32>
    %reduce_sum3A = arith.constant dense<0.000000e+00> : vector<512xf32>
    %reduce_sum3A_8 = vector.multi_reduction <add>, %mul3A, %reduce_sum3A [1] : vector<512x3xf32> to vector<512xf32>
    %broadcast_in_dim3A = vector.shape_cast %reduce_sum3A_8 : vector<512xf32> to vector<512x1xf32>
    %sqrt3A = math.sqrt %broadcast_in_dim3A : vector<512x1xf32>
    %iota3A = tpu.iota {dimensions = array<i32: 1>} : vector<512x10xi32>
    %add3A = arith.constant 1 : i32
    %add3A_9 = vector.broadcast %add3A : i32 to vector<512x10xi32>
    %add3A_10 = arith.addi %iota3A, %add3A_9 : vector<512x10xi32>
    %convert_element_type3A = arith.sitofp %add3A_10 : vector<512x10xi32> to vector<512x10xf32>
    %div3A = arith.constant 0.00663636345 : f32
    %div3A_11 = vector.broadcast %div3A : f32 to vector<512x1xf32>
    %div3A_12 = arith.divf %sqrt3A, %div3A_11 : vector<512x1xf32>
    %sub3A_13 = vector.broadcast %div3A_12 : vector<512x1xf32> to vector<512x10xf32>
    %sub3A_14 = arith.subf %sub3A_13, %convert_element_type3A : vector<512x10xf32>
    %add3A_15 = arith.constant 1.000000e+00 : f32
    %add3A_16 = vector.broadcast %add3A_15 : f32 to vector<512x10xf32>
    %add3A_17 = arith.addf %sub3A_14, %add3A_16 : vector<512x10xf32>
    %gt3A = arith.constant 0.000000e+00 : f32
    %gt3A_18 = vector.broadcast %gt3A : f32 to vector<512x10xf32>
    %gt3A_19 = arith.cmpf ogt, %add3A_17, %gt3A_18 : vector<512x10xf32>
    %jit3A = arith.constant 1.000000e+00 : f32
    %broadcast_in_dim3A_20 = vector.broadcast %jit3A : f32 to vector<512x10xf32>
    %select_n3A = arith.select %gt3A_19, %add3A_17, %broadcast_in_dim3A_20 : vector<512x10xi1>, vector<512x10xf32>
    %gt3A_21 = arith.constant 0.000000e+00 : f32
    %gt3A_22 = vector.broadcast %gt3A_21 : f32 to vector<512x10xf32>
    %gt3A_23 = arith.cmpf ogt, %add3A_17, %gt3A_22 : vector<512x10xf32>
    %div3A_24 = arith.constant -1.000000e+00 : f32
    %div3A_25 = vector.broadcast %div3A_24 : f32 to vector<512x10xf32>
    %div3A_26 = arith.divf %div3A_25, %select_n3A : vector<512x10xf32>
    %exp3A = math.exp %div3A_26 : vector<512x10xf32>
    %jit3A_27 = arith.constant 0.000000e+00 : f32
    %broadcast_in_dim3A_28 = vector.broadcast %jit3A_27 : f32 to vector<512x10xf32>
    %select_n3A_29 = arith.select %gt3A_23, %exp3A, %broadcast_in_dim3A_28 : vector<512x10xi1>, vector<512x10xf32>
    %mul3A_30 = arith.constant 2.666930e+01 : f32
    %mul3A_31 = vector.broadcast %mul3A_30 : f32 to vector<512x10xf32>
    %mul3A_32 = arith.mulf %mul3A_31, %select_n3A_29 : vector<512x10xf32>
    %sub3A_33 = arith.constant 1.000000e+00 : f32
    %sub3A_34 = vector.broadcast %sub3A_33 : f32 to vector<512x10xf32>
    %sub3A_35 = arith.subf %sub3A_34, %sub3A_14 : vector<512x10xf32>
    %gt3A_36 = arith.constant 0.000000e+00 : f32
    %gt3A_37 = vector.broadcast %gt3A_36 : f32 to vector<512x10xf32>
    %gt3A_38 = arith.cmpf ogt, %sub3A_35, %gt3A_37 : vector<512x10xf32>
    %jit3A_39 = arith.constant 1.000000e+00 : f32
    %broadcast_in_dim3A_40 = vector.broadcast %jit3A_39 : f32 to vector<512x10xf32>
    %select_n3A_41 = arith.select %gt3A_38, %sub3A_35, %broadcast_in_dim3A_40 : vector<512x10xi1>, vector<512x10xf32>
    %gt3A_42 = arith.constant 0.000000e+00 : f32
    %gt3A_43 = vector.broadcast %gt3A_42 : f32 to vector<512x10xf32>
    %gt3A_44 = arith.cmpf ogt, %sub3A_35, %gt3A_43 : vector<512x10xf32>
    %div3A_45 = arith.constant -1.000000e+00 : f32
    %div3A_46 = vector.broadcast %div3A_45 : f32 to vector<512x10xf32>
    %div3A_47 = arith.divf %div3A_46, %select_n3A_41 : vector<512x10xf32>
    %exp3A_48 = math.exp %div3A_47 : vector<512x10xf32>
    %jit3A_49 = arith.constant 0.000000e+00 : f32
    %broadcast_in_dim3A_50 = vector.broadcast %jit3A_49 : f32 to vector<512x10xf32>
    %select_n3A_51 = arith.select %gt3A_44, %exp3A_48, %broadcast_in_dim3A_50 : vector<512x10xi1>, vector<512x10xf32>
    %mul3A_52 = arith.mulf %mul3A_32, %select_n3A_51 : vector<512x10xf32>
    %div3A_53 = arith.constant 7.300000e-02 : f32
    %div3A_54 = vector.broadcast %div3A_53 : f32 to vector<512x1xf32>
    %div3A_55 = arith.divf %sqrt3A, %div3A_54 : vector<512x1xf32>
    %sub3A_56 = arith.constant 1.000000e+00 : f32
    %sub3A_57 = vector.broadcast %sub3A_56 : f32 to vector<512x1xf32>
    %sub3A_58 = arith.subf %sub3A_57, %div3A_55 : vector<512x1xf32>
    %mul3A_59 = arith.constant 1.000000e+01 : f32
    %mul3A_60 = vector.broadcast %mul3A_59 : f32 to vector<512x1xf32>
    %mul3A_61 = arith.mulf %mul3A_60, %sub3A_58 : vector<512x1xf32>
    %gt3A_62 = arith.constant 0.000000e+00 : f32
    %gt3A_63 = vector.broadcast %gt3A_62 : f32 to vector<512x1xf32>
    %gt3A_64 = arith.cmpf ogt, %mul3A_61, %gt3A_63 : vector<512x1xf32>
    %jit3A_65 = arith.constant 1.000000e+00 : f32
    %broadcast_in_dim3A_66 = vector.broadcast %jit3A_65 : f32 to vector<512x1xf32>
    %select_n3A_67 = arith.select %gt3A_64, %mul3A_61, %broadcast_in_dim3A_66 : vector<512x1xi1>, vector<512x1xf32>
    %gt3A_68 = arith.constant 0.000000e+00 : f32
    %gt3A_69 = vector.broadcast %gt3A_68 : f32 to vector<512x1xf32>
    %gt3A_70 = arith.cmpf ogt, %mul3A_61, %gt3A_69 : vector<512x1xf32>
    %div3A_71 = arith.constant -1.000000e+00 : f32
    %div3A_72 = vector.broadcast %div3A_71 : f32 to vector<512x1xf32>
    %div3A_73 = arith.divf %div3A_72, %select_n3A_67 : vector<512x1xf32>
    %exp3A_74 = math.exp %div3A_73 : vector<512x1xf32>
    %jit3A_75 = arith.constant 0.000000e+00 : f32
    %broadcast_in_dim3A_76 = vector.broadcast %jit3A_75 : f32 to vector<512x1xf32>
    %select_n3A_77 = arith.select %gt3A_70, %exp3A_74, %broadcast_in_dim3A_76 : vector<512x1xi1>, vector<512x1xf32>
    %broadcast_in_dim3A_78 = arith.constant 0.000000e+00 : f32
    %broadcast_in_dim3A_79 = vector.broadcast %broadcast_in_dim3A_78 : f32 to vector<512x6xf32>
    %concatenate3A = tpu.concatenate %mul3A_52, %broadcast_in_dim3A_79 in 1 : vector<512x10xf32>, vector<512x6xf32> -> vector<512x16xf32>
    %get3A_80 = arith.constant 0 : index
    %get3A_81 = arith.constant 0 : index
    %get3A_82 = vector.load %arg3[%get3A_80, %get3A_81] : memref<16x32xf32, #tpu.memory_space<vmem>>, vector<16x32xf32>
    %dot_general3A = arith.constant dense<0.000000e+00> : vector<512x32xf32>
    %dot_general3A_83 = tpu.matmul %concatenate3A, %get3A_82, %dot_general3A {dimension_numbers = #tpu.dot_dimension_numbers<[1], [0], [0], [1], [0, 0, 1, 1], [], []>, transpose_lhs_hint = false} : vector<512x16xf32>, vector<16x32xf32>, vector<512x32xf32> -> vector<512x32xf32>
    %logistic3A = arith.negf %dot_general3A_83 : vector<512x32xf32>
    %logistic3A_84 = math.exp %logistic3A : vector<512x32xf32>
    %logistic3A_85 = arith.constant 1.000000e+00 : f32
    %logistic3A_86 = vector.broadcast %logistic3A_85 : f32 to vector<512x32xf32>
    %logistic3A_87 = arith.addf %logistic3A_86, %logistic3A_84 : vector<512x32xf32>
    %logistic3A_88 = arith.divf %logistic3A_86, %logistic3A_87 : vector<512x32xf32>
    %mul3A_89 = arith.mulf %dot_general3A_83, %logistic3A_88 : vector<512x32xf32>
    %slice3A_90 = vector.extract_strided_slice %mul3A_89 {offsets = [0, 0], sizes = [512, 16], strides = [1, 1]} : vector<512x32xf32> to vector<512x16xf32>
    %slice3A_91 = vector.extract_strided_slice %mul3A_89 {offsets = [0, 16], sizes = [512, 16], strides = [1, 1]} : vector<512x32xf32> to vector<512x16xf32>
    %get3A_92 = arith.constant 0 : index
    %get3A_93 = arith.constant 0 : index
    %get3A_94 = vector.load %arg4[%get3A_92, %get3A_93] : memref<32x768xf32, #tpu.memory_space<vmem>>, vector<32x768xf32>
    %dot_general3A_95 = arith.constant dense<0.000000e+00> : vector<512x768xf32>
    %dot_general3A_96 = tpu.matmul %slice3A, %get3A_94, %dot_general3A_95 {dimension_numbers = #tpu.dot_dimension_numbers<[1], [0], [0], [1], [0, 0, 1, 1], [], []>, transpose_lhs_hint = false} : vector<512x32xf32>, vector<32x768xf32>, vector<512x768xf32> -> vector<512x768xf32>
    %broadcast_in_dim3A_97 = arith.constant 0.000000e+00 : f32
    %broadcast_in_dim3A_98 = vector.broadcast %broadcast_in_dim3A_97 : f32 to vector<512x16xf32>
    %broadcast_in_dim3A_99 = arith.constant 0.000000e+00 : f32
    %broadcast_in_dim3A_100 = vector.broadcast %broadcast_in_dim3A_99 : f32 to vector<512x32xf32>
    %slice3A_101 = vector.extract_strided_slice %slice3A_90 {offsets = [0, 0], sizes = [512, 1], strides = [1, 1]} : vector<512x16xf32> to vector<512x1xf32>
    %slice3A_102 = vector.extract_strided_slice %dot_general3A_96 {offsets = [0, 0], sizes = [512, 16], strides = [1, 1]} : vector<512x768xf32> to vector<512x16xf32>
    %mul3A_103 = vector.broadcast %slice3A_101 : vector<512x1xf32> to vector<512x16xf32>
    %mul3A_104 = arith.mulf %mul3A_103, %slice3A_102 : vector<512x16xf32>
    %add3A_105 = arith.addf %broadcast_in_dim3A_98, %mul3A_104 : vector<512x16xf32>
    %slice3A_106 = vector.extract_strided_slice %slice3A_91 {offsets = [0, 0], sizes = [512, 1], strides = [1, 1]} : vector<512x16xf32> to vector<512x1xf32>
    %slice3A_107 = vector.extract_strided_slice %dot_general3A_96 {offsets = [0, 256], sizes = [512, 32], strides = [1, 1]} : vector<512x768xf32> to vector<512x32xf32>
    %mul3A_108 = vector.broadcast %slice3A_106 : vector<512x1xf32> to vector<512x32xf32>
    %mul3A_109 = arith.mulf %mul3A_108, %slice3A_107 : vector<512x32xf32>
    %add3A_110 = arith.addf %broadcast_in_dim3A_100, %mul3A_109 : vector<512x32xf32>
    %slice3A_111 = vector.extract_strided_slice %slice3A_90 {offsets = [0, 1], sizes = [512, 1], strides = [1, 1]} : vector<512x16xf32> to vector<512x1xf32>
    %slice3A_112 = vector.extract_strided_slice %dot_general3A_96 {offsets = [0, 16], sizes = [512, 16], strides = [1, 1]} : vector<512x768xf32> to vector<512x16xf32>
    %mul3A_113 = vector.broadcast %slice3A_111 : vector<512x1xf32> to vector<512x16xf32>
    %mul3A_114 = arith.mulf %mul3A_113, %slice3A_112 : vector<512x16xf32>
    %add3A_115 = arith.addf %add3A_105, %mul3A_114 : vector<512x16xf32>
    %slice3A_116 = vector.extract_strided_slice %slice3A_91 {offsets = [0, 1], sizes = [512, 1], strides = [1, 1]} : vector<512x16xf32> to vector<512x1xf32>
    %slice3A_117 = vector.extract_strided_slice %dot_general3A_96 {offsets = [0, 288], sizes = [512, 32], strides = [1, 1]} : vector<512x768xf32> to vector<512x32xf32>
    %mul3A_118 = vector.broadcast %slice3A_116 : vector<512x1xf32> to vector<512x32xf32>
    %mul3A_119 = arith.mulf %mul3A_118, %slice3A_117 : vector<512x32xf32>
    %add3A_120 = arith.addf %add3A_110, %mul3A_119 : vector<512x32xf32>
    %slice3A_121 = vector.extract_strided_slice %slice3A_90 {offsets = [0, 2], sizes = [512, 1], strides = [1, 1]} : vector<512x16xf32> to vector<512x1xf32>
    %slice3A_122 = vector.extract_strided_slice %dot_general3A_96 {offsets = [0, 32], sizes = [512, 16], strides = [1, 1]} : vector<512x768xf32> to vector<512x16xf32>
    %mul3A_123 = vector.broadcast %slice3A_121 : vector<512x1xf32> to vector<512x16xf32>
    %mul3A_124 = arith.mulf %mul3A_123, %slice3A_122 : vector<512x16xf32>
    %add3A_125 = arith.addf %add3A_115, %mul3A_124 : vector<512x16xf32>
    %slice3A_126 = vector.extract_strided_slice %slice3A_91 {offsets = [0, 2], sizes = [512, 1], strides = [1, 1]} : vector<512x16xf32> to vector<512x1xf32>
    %slice3A_127 = vector.extract_strided_slice %dot_general3A_96 {offsets = [0, 320], sizes = [512, 32], strides = [1, 1]} : vector<512x768xf32> to vector<512x32xf32>
    %mul3A_128 = vector.broadcast %slice3A_126 : vector<512x1xf32> to vector<512x32xf32>
    %mul3A_129 = arith.mulf %mul3A_128, %slice3A_127 : vector<512x32xf32>
    %add3A_130 = arith.addf %add3A_120, %mul3A_129 : vector<512x32xf32>
    %slice3A_131 = vector.extract_strided_slice %slice3A_90 {offsets = [0, 3], sizes = [512, 1], strides = [1, 1]} : vector<512x16xf32> to vector<512x1xf32>
    %slice3A_132 = vector.extract_strided_slice %dot_general3A_96 {offsets = [0, 48], sizes = [512, 16], strides = [1, 1]} : vector<512x768xf32> to vector<512x16xf32>
    %mul3A_133 = vector.broadcast %slice3A_131 : vector<512x1xf32> to vector<512x16xf32>
    %mul3A_134 = arith.mulf %mul3A_133, %slice3A_132 : vector<512x16xf32>
    %add3A_135 = arith.addf %add3A_125, %mul3A_134 : vector<512x16xf32>
    %slice3A_136 = vector.extract_strided_slice %slice3A_91 {offsets = [0, 3], sizes = [512, 1], strides = [1, 1]} : vector<512x16xf32> to vector<512x1xf32>
    %slice3A_137 = vector.extract_strided_slice %dot_general3A_96 {offsets = [0, 352], sizes = [512, 32], strides = [1, 1]} : vector<512x768xf32> to vector<512x32xf32>
    %mul3A_138 = vector.broadcast %slice3A_136 : vector<512x1xf32> to vector<512x32xf32>
    %mul3A_139 = arith.mulf %mul3A_138, %slice3A_137 : vector<512x32xf32>
    %add3A_140 = arith.addf %add3A_130, %mul3A_139 : vector<512x32xf32>
    %slice3A_141 = vector.extract_strided_slice %slice3A_90 {offsets = [0, 4], sizes = [512, 1], strides = [1, 1]} : vector<512x16xf32> to vector<512x1xf32>
    %slice3A_142 = vector.extract_strided_slice %dot_general3A_96 {offsets = [0, 64], sizes = [512, 16], strides = [1, 1]} : vector<512x768xf32> to vector<512x16xf32>
    %mul3A_143 = vector.broadcast %slice3A_141 : vector<512x1xf32> to vector<512x16xf32>
    %mul3A_144 = arith.mulf %mul3A_143, %slice3A_142 : vector<512x16xf32>
    %add3A_145 = arith.addf %add3A_135, %mul3A_144 : vector<512x16xf32>
    %slice3A_146 = vector.extract_strided_slice %slice3A_91 {offsets = [0, 4], sizes = [512, 1], strides = [1, 1]} : vector<512x16xf32> to vector<512x1xf32>
    %slice3A_147 = vector.extract_strided_slice %dot_general3A_96 {offsets = [0, 384], sizes = [512, 32], strides = [1, 1]} : vector<512x768xf32> to vector<512x32xf32>
    %mul3A_148 = vector.broadcast %slice3A_146 : vector<512x1xf32> to vector<512x32xf32>
    %mul3A_149 = arith.mulf %mul3A_148, %slice3A_147 : vector<512x32xf32>
    %add3A_150 = arith.addf %add3A_140, %mul3A_149 : vector<512x32xf32>
    %slice3A_151 = vector.extract_strided_slice %slice3A_90 {offsets = [0, 5], sizes = [512, 1], strides = [1, 1]} : vector<512x16xf32> to vector<512x1xf32>
    %slice3A_152 = vector.extract_strided_slice %dot_general3A_96 {offsets = [0, 80], sizes = [512, 16], strides = [1, 1]} : vector<512x768xf32> to vector<512x16xf32>
    %mul3A_153 = vector.broadcast %slice3A_151 : vector<512x1xf32> to vector<512x16xf32>
    %mul3A_154 = arith.mulf %mul3A_153, %slice3A_152 : vector<512x16xf32>
    %add3A_155 = arith.addf %add3A_145, %mul3A_154 : vector<512x16xf32>
    %slice3A_156 = vector.extract_strided_slice %slice3A_91 {offsets = [0, 5], sizes = [512, 1], strides = [1, 1]} : vector<512x16xf32> to vector<512x1xf32>
    %slice3A_157 = vector.extract_strided_slice %dot_general3A_96 {offsets = [0, 416], sizes = [512, 32], strides = [1, 1]} : vector<512x768xf32> to vector<512x32xf32>
    %mul3A_158 = vector.broadcast %slice3A_156 : vector<512x1xf32> to vector<512x32xf32>
    %mul3A_159 = arith.mulf %mul3A_158, %slice3A_157 : vector<512x32xf32>
    %add3A_160 = arith.addf %add3A_150, %mul3A_159 : vector<512x32xf32>
    %slice3A_161 = vector.extract_strided_slice %slice3A_90 {offsets = [0, 6], sizes = [512, 1], strides = [1, 1]} : vector<512x16xf32> to vector<512x1xf32>
    %slice3A_162 = vector.extract_strided_slice %dot_general3A_96 {offsets = [0, 96], sizes = [512, 16], strides = [1, 1]} : vector<512x768xf32> to vector<512x16xf32>
    %mul3A_163 = vector.broadcast %slice3A_161 : vector<512x1xf32> to vector<512x16xf32>
    %mul3A_164 = arith.mulf %mul3A_163, %slice3A_162 : vector<512x16xf32>
    %add3A_165 = arith.addf %add3A_155, %mul3A_164 : vector<512x16xf32>
    %slice3A_166 = vector.extract_strided_slice %slice3A_91 {offsets = [0, 6], sizes = [512, 1], strides = [1, 1]} : vector<512x16xf32> to vector<512x1xf32>
    %slice3A_167 = vector.extract_strided_slice %dot_general3A_96 {offsets = [0, 448], sizes = [512, 32], strides = [1, 1]} : vector<512x768xf32> to vector<512x32xf32>
    %mul3A_168 = vector.broadcast %slice3A_166 : vector<512x1xf32> to vector<512x32xf32>
    %mul3A_169 = arith.mulf %mul3A_168, %slice3A_167 : vector<512x32xf32>
    %add3A_170 = arith.addf %add3A_160, %mul3A_169 : vector<512x32xf32>
    %slice3A_171 = vector.extract_strided_slice %slice3A_90 {offsets = [0, 7], sizes = [512, 1], strides = [1, 1]} : vector<512x16xf32> to vector<512x1xf32>
    %slice3A_172 = vector.extract_strided_slice %dot_general3A_96 {offsets = [0, 112], sizes = [512, 16], strides = [1, 1]} : vector<512x768xf32> to vector<512x16xf32>
    %mul3A_173 = vector.broadcast %slice3A_171 : vector<512x1xf32> to vector<512x16xf32>
    %mul3A_174 = arith.mulf %mul3A_173, %slice3A_172 : vector<512x16xf32>
    %add3A_175 = arith.addf %add3A_165, %mul3A_174 : vector<512x16xf32>
    %slice3A_176 = vector.extract_strided_slice %slice3A_91 {offsets = [0, 7], sizes = [512, 1], strides = [1, 1]} : vector<512x16xf32> to vector<512x1xf32>
    %slice3A_177 = vector.extract_strided_slice %dot_general3A_96 {offsets = [0, 480], sizes = [512, 32], strides = [1, 1]} : vector<512x768xf32> to vector<512x32xf32>
    %mul3A_178 = vector.broadcast %slice3A_176 : vector<512x1xf32> to vector<512x32xf32>
    %mul3A_179 = arith.mulf %mul3A_178, %slice3A_177 : vector<512x32xf32>
    %add3A_180 = arith.addf %add3A_170, %mul3A_179 : vector<512x32xf32>
    %slice3A_181 = vector.extract_strided_slice %slice3A_90 {offsets = [0, 8], sizes = [512, 1], strides = [1, 1]} : vector<512x16xf32> to vector<512x1xf32>
    %slice3A_182 = vector.extract_strided_slice %dot_general3A_96 {offsets = [0, 128], sizes = [512, 16], strides = [1, 1]} : vector<512x768xf32> to vector<512x16xf32>
    %mul3A_183 = vector.broadcast %slice3A_181 : vector<512x1xf32> to vector<512x16xf32>
    %mul3A_184 = arith.mulf %mul3A_183, %slice3A_182 : vector<512x16xf32>
    %add3A_185 = arith.addf %add3A_175, %mul3A_184 : vector<512x16xf32>
    %slice3A_186 = vector.extract_strided_slice %slice3A_91 {offsets = [0, 8], sizes = [512, 1], strides = [1, 1]} : vector<512x16xf32> to vector<512x1xf32>
    %slice3A_187 = vector.extract_strided_slice %dot_general3A_96 {offsets = [0, 512], sizes = [512, 32], strides = [1, 1]} : vector<512x768xf32> to vector<512x32xf32>
    %mul3A_188 = vector.broadcast %slice3A_186 : vector<512x1xf32> to vector<512x32xf32>
    %mul3A_189 = arith.mulf %mul3A_188, %slice3A_187 : vector<512x32xf32>
    %add3A_190 = arith.addf %add3A_180, %mul3A_189 : vector<512x32xf32>
    %slice3A_191 = vector.extract_strided_slice %slice3A_90 {offsets = [0, 9], sizes = [512, 1], strides = [1, 1]} : vector<512x16xf32> to vector<512x1xf32>
    %slice3A_192 = vector.extract_strided_slice %dot_general3A_96 {offsets = [0, 144], sizes = [512, 16], strides = [1, 1]} : vector<512x768xf32> to vector<512x16xf32>
    %mul3A_193 = vector.broadcast %slice3A_191 : vector<512x1xf32> to vector<512x16xf32>
    %mul3A_194 = arith.mulf %mul3A_193, %slice3A_192 : vector<512x16xf32>
    %add3A_195 = arith.addf %add3A_185, %mul3A_194 : vector<512x16xf32>
    %slice3A_196 = vector.extract_strided_slice %slice3A_91 {offsets = [0, 9], sizes = [512, 1], strides = [1, 1]} : vector<512x16xf32> to vector<512x1xf32>
    %slice3A_197 = vector.extract_strided_slice %dot_general3A_96 {offsets = [0, 544], sizes = [512, 32], strides = [1, 1]} : vector<512x768xf32> to vector<512x32xf32>
    %mul3A_198 = vector.broadcast %slice3A_196 : vector<512x1xf32> to vector<512x32xf32>
    %mul3A_199 = arith.mulf %mul3A_198, %slice3A_197 : vector<512x32xf32>
    %add3A_200 = arith.addf %add3A_190, %mul3A_199 : vector<512x32xf32>
    %slice3A_201 = vector.extract_strided_slice %slice3A_90 {offsets = [0, 10], sizes = [512, 1], strides = [1, 1]} : vector<512x16xf32> to vector<512x1xf32>
    %slice3A_202 = vector.extract_strided_slice %dot_general3A_96 {offsets = [0, 160], sizes = [512, 16], strides = [1, 1]} : vector<512x768xf32> to vector<512x16xf32>
    %mul3A_203 = vector.broadcast %slice3A_201 : vector<512x1xf32> to vector<512x16xf32>
    %mul3A_204 = arith.mulf %mul3A_203, %slice3A_202 : vector<512x16xf32>
    %add3A_205 = arith.addf %add3A_195, %mul3A_204 : vector<512x16xf32>
    %slice3A_206 = vector.extract_strided_slice %slice3A_91 {offsets = [0, 10], sizes = [512, 1], strides = [1, 1]} : vector<512x16xf32> to vector<512x1xf32>
    %slice3A_207 = vector.extract_strided_slice %dot_general3A_96 {offsets = [0, 576], sizes = [512, 32], strides = [1, 1]} : vector<512x768xf32> to vector<512x32xf32>
    %mul3A_208 = vector.broadcast %slice3A_206 : vector<512x1xf32> to vector<512x32xf32>
    %mul3A_209 = arith.mulf %mul3A_208, %slice3A_207 : vector<512x32xf32>
    %add3A_210 = arith.addf %add3A_200, %mul3A_209 : vector<512x32xf32>
    %slice3A_211 = vector.extract_strided_slice %slice3A_90 {offsets = [0, 11], sizes = [512, 1], strides = [1, 1]} : vector<512x16xf32> to vector<512x1xf32>
    %slice3A_212 = vector.extract_strided_slice %dot_general3A_96 {offsets = [0, 176], sizes = [512, 16], strides = [1, 1]} : vector<512x768xf32> to vector<512x16xf32>
    %mul3A_213 = vector.broadcast %slice3A_211 : vector<512x1xf32> to vector<512x16xf32>
    %mul3A_214 = arith.mulf %mul3A_213, %slice3A_212 : vector<512x16xf32>
    %add3A_215 = arith.addf %add3A_205, %mul3A_214 : vector<512x16xf32>
    %slice3A_216 = vector.extract_strided_slice %slice3A_91 {offsets = [0, 11], sizes = [512, 1], strides = [1, 1]} : vector<512x16xf32> to vector<512x1xf32>
    %slice3A_217 = vector.extract_strided_slice %dot_general3A_96 {offsets = [0, 608], sizes = [512, 32], strides = [1, 1]} : vector<512x768xf32> to vector<512x32xf32>
    %mul3A_218 = vector.broadcast %slice3A_216 : vector<512x1xf32> to vector<512x32xf32>
    %mul3A_219 = arith.mulf %mul3A_218, %slice3A_217 : vector<512x32xf32>
    %add3A_220 = arith.addf %add3A_210, %mul3A_219 : vector<512x32xf32>
    %slice3A_221 = vector.extract_strided_slice %slice3A_90 {offsets = [0, 12], sizes = [512, 1], strides = [1, 1]} : vector<512x16xf32> to vector<512x1xf32>
    %slice3A_222 = vector.extract_strided_slice %dot_general3A_96 {offsets = [0, 192], sizes = [512, 16], strides = [1, 1]} : vector<512x768xf32> to vector<512x16xf32>
    %mul3A_223 = vector.broadcast %slice3A_221 : vector<512x1xf32> to vector<512x16xf32>
    %mul3A_224 = arith.mulf %mul3A_223, %slice3A_222 : vector<512x16xf32>
    %add3A_225 = arith.addf %add3A_215, %mul3A_224 : vector<512x16xf32>
    %slice3A_226 = vector.extract_strided_slice %slice3A_91 {offsets = [0, 12], sizes = [512, 1], strides = [1, 1]} : vector<512x16xf32> to vector<512x1xf32>
    %slice3A_227 = vector.extract_strided_slice %dot_general3A_96 {offsets = [0, 640], sizes = [512, 32], strides = [1, 1]} : vector<512x768xf32> to vector<512x32xf32>
    %mul3A_228 = vector.broadcast %slice3A_226 : vector<512x1xf32> to vector<512x32xf32>
    %mul3A_229 = arith.mulf %mul3A_228, %slice3A_227 : vector<512x32xf32>
    %add3A_230 = arith.addf %add3A_220, %mul3A_229 : vector<512x32xf32>
    %slice3A_231 = vector.extract_strided_slice %slice3A_90 {offsets = [0, 13], sizes = [512, 1], strides = [1, 1]} : vector<512x16xf32> to vector<512x1xf32>
    %slice3A_232 = vector.extract_strided_slice %dot_general3A_96 {offsets = [0, 208], sizes = [512, 16], strides = [1, 1]} : vector<512x768xf32> to vector<512x16xf32>
    %mul3A_233 = vector.broadcast %slice3A_231 : vector<512x1xf32> to vector<512x16xf32>
    %mul3A_234 = arith.mulf %mul3A_233, %slice3A_232 : vector<512x16xf32>
    %add3A_235 = arith.addf %add3A_225, %mul3A_234 : vector<512x16xf32>
    %slice3A_236 = vector.extract_strided_slice %slice3A_91 {offsets = [0, 13], sizes = [512, 1], strides = [1, 1]} : vector<512x16xf32> to vector<512x1xf32>
    %slice3A_237 = vector.extract_strided_slice %dot_general3A_96 {offsets = [0, 672], sizes = [512, 32], strides = [1, 1]} : vector<512x768xf32> to vector<512x32xf32>
    %mul3A_238 = vector.broadcast %slice3A_236 : vector<512x1xf32> to vector<512x32xf32>
    %mul3A_239 = arith.mulf %mul3A_238, %slice3A_237 : vector<512x32xf32>
    %add3A_240 = arith.addf %add3A_230, %mul3A_239 : vector<512x32xf32>
    %slice3A_241 = vector.extract_strided_slice %slice3A_90 {offsets = [0, 14], sizes = [512, 1], strides = [1, 1]} : vector<512x16xf32> to vector<512x1xf32>
    %slice3A_242 = vector.extract_strided_slice %dot_general3A_96 {offsets = [0, 224], sizes = [512, 16], strides = [1, 1]} : vector<512x768xf32> to vector<512x16xf32>
    %mul3A_243 = vector.broadcast %slice3A_241 : vector<512x1xf32> to vector<512x16xf32>
    %mul3A_244 = arith.mulf %mul3A_243, %slice3A_242 : vector<512x16xf32>
    %add3A_245 = arith.addf %add3A_235, %mul3A_244 : vector<512x16xf32>
    %slice3A_246 = vector.extract_strided_slice %slice3A_91 {offsets = [0, 14], sizes = [512, 1], strides = [1, 1]} : vector<512x16xf32> to vector<512x1xf32>
    %slice3A_247 = vector.extract_strided_slice %dot_general3A_96 {offsets = [0, 704], sizes = [512, 32], strides = [1, 1]} : vector<512x768xf32> to vector<512x32xf32>
    %mul3A_248 = vector.broadcast %slice3A_246 : vector<512x1xf32> to vector<512x32xf32>
    %mul3A_249 = arith.mulf %mul3A_248, %slice3A_247 : vector<512x32xf32>
    %add3A_250 = arith.addf %add3A_240, %mul3A_249 : vector<512x32xf32>
    %slice3A_251 = vector.extract_strided_slice %slice3A_90 {offsets = [0, 15], sizes = [512, 1], strides = [1, 1]} : vector<512x16xf32> to vector<512x1xf32>
    %slice3A_252 = vector.extract_strided_slice %dot_general3A_96 {offsets = [0, 240], sizes = [512, 16], strides = [1, 1]} : vector<512x768xf32> to vector<512x16xf32>
    %mul3A_253 = vector.broadcast %slice3A_251 : vector<512x1xf32> to vector<512x16xf32>
    %mul3A_254 = arith.mulf %mul3A_253, %slice3A_252 : vector<512x16xf32>
    %add3A_255 = arith.addf %add3A_245, %mul3A_254 : vector<512x16xf32>
    %slice3A_256 = vector.extract_strided_slice %slice3A_91 {offsets = [0, 15], sizes = [512, 1], strides = [1, 1]} : vector<512x16xf32> to vector<512x1xf32>
    %slice3A_257 = vector.extract_strided_slice %dot_general3A_96 {offsets = [0, 736], sizes = [512, 32], strides = [1, 1]} : vector<512x768xf32> to vector<512x32xf32>
    %mul3A_258 = vector.broadcast %slice3A_256 : vector<512x1xf32> to vector<512x32xf32>
    %mul3A_259 = arith.mulf %mul3A_258, %slice3A_257 : vector<512x32xf32>
    %add3A_260 = arith.addf %add3A_250, %mul3A_259 : vector<512x32xf32>
    %mul3A_261 = arith.mulf %slice3A_6, %add3A_255 : vector<512x16xf32>
    %reduce_sum3A_262 = arith.constant dense<0.000000e+00> : vector<512xf32>
    %reduce_sum3A_263 = vector.multi_reduction <add>, %mul3A_261, %reduce_sum3A_262 [1] : vector<512x16xf32> to vector<512xf32>
    %broadcast_in_dim3A_264 = vector.shape_cast %reduce_sum3A_263 : vector<512xf32> to vector<512x1xf32>
    %gt3A_265 = arith.constant 0.000000e+00 : f32
    %gt3A_266 = vector.broadcast %gt3A_265 : f32 to vector<512x1xf32>
    %gt3A_267 = arith.cmpf ogt, %broadcast_in_dim3A, %gt3A_266 : vector<512x1xf32>
    %exp3A_268 = math.exp %broadcast_in_dim3A_264 : vector<512x1xf32>
    %mul3A_269 = arith.mulf %select_n3A_77, %exp3A_268 : vector<512x1xf32>
    %jit3A_270 = arith.constant 0.000000e+00 : f32
    %broadcast_in_dim3A_271 = vector.broadcast %jit3A_270 : f32 to vector<512x1xf32>
    %select_n3A_272 = arith.select %gt3A_267, %mul3A_269, %broadcast_in_dim3A_271 : vector<512x1xi1>, vector<512x1xf32>
    %sqrt3A_273 = math.sqrt %select_n3A_272 : vector<512x1xf32>
    %mul3A_274 = vector.broadcast %sqrt3A_273 : vector<512x1xf32> to vector<512x32xf32>
    %mul3A_275 = arith.mulf %mul3A_274, %add3A_260 : vector<512x32xf32>
    %broadcast_in_dim3A_276 = arith.constant 0.000000e+00 : f32
    %broadcast_in_dim3A_277 = vector.broadcast %broadcast_in_dim3A_276 : f32 to vector<512x31xf32>
    %concatenate3A_278 = tpu.concatenate %mul3A_275, %select_n3A_272, %broadcast_in_dim3A_277 in 1 : vector<512x32xf32>, vector<512x1xf32>, vector<512x31xf32> -> vector<512x64xf32>
    %swap3A = arith.constant 0 : index
    %swap3A_279 = arith.constant 0 : index
    %swap3A_280 = vector.load %arg5[%swap3A, %swap3A_279] : memref<512x64xf32, #tpu.memory_space<vmem>>, vector<512x64xf32>
    tpu.vector_store %arg5[%swap3A, %swap3A_279], %concatenate3A_278 {strides = array<i32>} : memref<512x64xf32, #tpu.memory_space<vmem>>, vector<512x64xf32>,
    return
  }
  func.func @transform_0(%arg0: i32) -> (i32, i32) {
    %c0_i32 = arith.constant 0 : i32
    %c0_i32_0 = arith.constant 0 : i32
    return %arg0, %c0_i32 : i32, i32
  }
  func.func @transform_1(%arg0: i32) -> (i32, i32) {
    %c0_i32 = arith.constant 0 : i32
    %c0_i32_0 = arith.constant 0 : i32
    return %arg0, %c0_i32 : i32, i32
  }
  func.func @transform_2(%arg0: i32) -> (i32, i32) {
    %c0_i32 = arith.constant 0 : i32
    %c0_i32_0 = arith.constant 0 : i32
    %c0_i32_1 = arith.constant 0 : i32
    return %c0_i32, %c0_i32_0 : i32, i32
  }
  func.func @transform_3(%arg0: i32) -> (i32, i32) {
    %c0_i32 = arith.constant 0 : i32
    %c0_i32_0 = arith.constant 0 : i32
    %c0_i32_1 = arith.constant 0 : i32
    return %c0_i32, %c0_i32_0 : i32, i32
  }
  func.func @transform_4(%arg0: i32) -> (i32, i32) {
    %c0_i32 = arith.constant 0 : i32
    %c0_i32_0 = arith.constant 0 : i32
    return %arg0, %c0_i32 : i32, i32
  }
}

module attributes {stable_mosaic.version = 14 : i64} {
  func.func @_finalize_kernel(%arg0: i32, %arg1: memref<1x1000x64xf32, #tpu.memory_space<vmem>>, %arg2: memref<1000x32xf32, #tpu.memory_space<vmem>>) attributes {dimension_semantics = [#tpu.dimension_semantics<arbitrary>], iteration_bounds = array<i64: 10>, scalar_prefetch = 0 : i64, scratch_operands = 0 : i64, tpu.core_type = #tpu.core_type<tc>, window_params = [{transform_indices = @transform_0, window_bounds = array<i64: 1, 1000, 64>}, {transform_indices = @transform_1, window_bounds = array<i64: 1000, 32>}]} {
    %get3A = arith.constant 0 : index
    %get3A_0 = arith.constant 0 : index
    %get3A_1 = arith.constant 0 : index
    %get3A_2 = vector.load %arg1[%get3A, %get3A_0, %get3A_1] : memref<1x1000x64xf32, #tpu.memory_space<vmem>>, vector<1x1000x64xf32>
    %reduce_sum3A = arith.constant dense<0.000000e+00> : vector<1000x64xf32>
    %reduce_sum3A_3 = vector.multi_reduction <add>, %get3A_2, %reduce_sum3A [0] : vector<1x1000x64xf32> to vector<1000x64xf32>
    %slice3A = vector.extract_strided_slice %reduce_sum3A_3 {offsets = [0, 32], sizes = [1000, 1], strides = [1, 1]} : vector<1000x64xf32> to vector<1000x1xf32>
    %eq3A = arith.constant 0.000000e+00 : f32
    %eq3A_4 = vector.broadcast %eq3A : f32 to vector<1000x1xf32>
    %eq3A_5 = arith.cmpf oeq, %slice3A, %eq3A_4 : vector<1000x1xf32>
    %jit3A = arith.constant 1.000000e+00 : f32
    %broadcast_in_dim3A = vector.broadcast %jit3A : f32 to vector<1000x1xf32>
    %select_n3A = arith.select %eq3A_5, %broadcast_in_dim3A, %slice3A : vector<1000x1xi1>, vector<1000x1xf32>
    %slice3A_6 = vector.extract_strided_slice %reduce_sum3A_3 {offsets = [0, 0], sizes = [1000, 32], strides = [1, 1]} : vector<1000x64xf32> to vector<1000x32xf32>
    %rsqrt3A = math.rsqrt %select_n3A : vector<1000x1xf32>
    %mul3A = vector.broadcast %rsqrt3A : vector<1000x1xf32> to vector<1000x32xf32>
    %mul3A_7 = arith.mulf %slice3A_6, %mul3A : vector<1000x32xf32>
    %swap3A = arith.constant 0 : index
    %swap3A_8 = arith.constant 0 : index
    %swap3A_9 = vector.load %arg2[%swap3A, %swap3A_8] : memref<1000x32xf32, #tpu.memory_space<vmem>>, vector<1000x32xf32>
    tpu.vector_store %arg2[%swap3A, %swap3A_8], %mul3A_7 {strides = array<i32>} : memref<1000x32xf32, #tpu.memory_space<vmem>>, vector<1000x32xf32>,
    return
  }
  func.func @transform_0(%arg0: i32) -> (i32, i32, i32) {
    %c0_i32 = arith.constant 0 : i32
    %c0_i32_0 = arith.constant 0 : i32
    %c0_i32_1 = arith.constant 0 : i32
    return %c0_i32, %arg0, %c0_i32_0 : i32, i32, i32
  }
  func.func @transform_1(%arg0: i32) -> (i32, i32) {
    %c0_i32 = arith.constant 0 : i32
    %c0_i32_0 = arith.constant 0 : i32
    return %arg0, %c0_i32 : i32, i32
  }
}

</mosaic_0001>

<sc_bundles>
// kernel: kernel.7.cloned.1.call-start
scs
__scs_entry_jumppad:
0x0: {  	(pc) =	sbr.rel $0x88, $3  }
0x1: {  	(tag) =	ssettag $0x0;
	lr =	simm.s32 $0x1  }
0x2: {  	[smem:$0x3F99] =	sst lr;
	_ =	strace $0xD0000000  }
0x3: {  	_ = 	snop  }
0x4: {  	_ = 	snop  }
0x5: {  	_ = 	snop  }
0x6: {  	_ = 	snop  }
0x7: {  	_ = 	snop  }
__scs_overlays_trampoline_lowered:
0x8: {  	[smem:$0x3FA8] =	sst s0  }
0x9: {  	[smem:$0x3FA9] =	sst s1  }
0xa: {  	[smem:$0x3FAA] =	sst s2  }
0xb: {  	[smem:$0x3FAB] =	sst s3  }
0xc: {  	[smem:$0x3FAC] =	sst s4  }
0xd: {  	[smem:$0x3FAD] =	sst s5  }
0xe: {  	[smem:$0x3FAE] =	sst s6  }
0xf: {  	[smem:$0x3FAF] =	sst s7  }
0x10: {  	[smem:$0x3FB0] =	sst s8  }
0x11: {  	[smem:$0x3FB1] =	sst s9;
	s0 =	simm.s32 @!p0 $0x0  }
0x12: {  	s1 =	sld [smem:$0x3F97];
	s0 =	simm.s32 @p0 $0x1  }
0x13: {  	[smem:$0x3FB2] =	sst s0;
	s0 =	simm.s32 @!p1 $0x0  }
0x14: {  	s2 =	sld [smem:$0x3F96];
	s0 =	simm.s32 @p1 $0x1  }
0x15: {  	[smem:$0x3FB3] =	sst s0;
	s0 =	simm.s32 @!p2 $0x0  }
0x16: {  	s3 =	sld [smem:$0x3FDB];
	s0 =	simm.s32 @p2 $0x1  }
0x17: {  	s4 =	simm.s32 $0x1BF5;
	[smem:$0x3FB5] =	sst s0  }
0x18: {  	s0 =	sld [smem:$0x3F98];
	_ =	swait.ge [sflag:s4], $0x0  }
0x19: {  	s7 =	sld [smem:$0x3F99]  }
0x1a: {  	s8 =	sadd.s32 $0xFFFFE003, lr  }
0x1b: {  	s9 =	sadd.s32 $0xFFFFFEF7, lr;
	s5 =	simm.s32 $0xFFFFFFFF;
	p2 =	slt.u32 s8, $0xFFFFF086  }
0x1c: {  	p1 =	slt.u32 s9, $0xF7A;
	s5 =	simm.s32 @!p2 $0x0  }
0x1d: {  	s5 =	simm.s32 @p1 $0x1;
	p0 =	seq.s32 s7, s2  }
0x1e: {  	s7 =	smul.u32 @!p0 $0xF7A, s2;
	p2 =	seq.s32 @!p0 s5, $0x0  }
0x1f: {  	s9 =	smul.u32 $0xF7A, s1;
	s8 =	simm.s32 @!p0 $0x1BF5;
	p2 =	por !p2, p0  }
0x20: {  	[sflag:s8] =	ssyncset.s32 @!p0 $0xFFFFF086;
	s6 =	sadd.s32 @!p0 s3, s7;
	s7 =	simm.s32 @!p0 $0x108  }
0x21: {  	s3 =	sadd.s32 s3, s9;
	s6 =	sadd.s32 @!p0 $0x88, s6;
	s7 =	simm.s32 @p2 $0x1082  }
0x22: {  	[simem:s7], [sflag:s8] =	dma.local @!p0 [hbm:s6], $0xF7A  }
0x23: {  	s9 =	sor.u32 $0xD0000000, s2;
	s6 =	simm.s32 $0x108;
	_ =	swait.ge @!p0 [sflag:s8], $0x0  }
0x24: {  	s3 =	sadd.s32 $0x88, s3;
	s6 =	simm.s32 @!p1 $0x1082;
	[sflag:s4] =	ssyncset.s32 $0xFFFFF086  }
0x25: {  	[simem:s6], [sflag:s4] =	dma.local [hbm:s3], $0xF7A  }
0x26: {  	[smem:$0x3F99] =	sst s1;
	(tag) =	ssettag s2;
	_ =	strace s9  }
0x27: {  	s1 =	sld [smem:$0x3FA9]  }
0x28: {  	s2 =	sld [smem:$0x3FAA]  }
0x29: {  	s4 =	sld [smem:$0x3FAC]  }
0x2a: {  	p0 =	seq.s32 s5, $0x0;
	s5 =	sld [smem:$0x3FAD]  }
0x2b: {  	s6 =	sld [smem:$0x3FAE]  }
0x2c: {  	s7 =	sld [smem:$0x3FAF]  }
0x2d: {  	s3 =	simm.s32 $0x108;
	s8 =	sld [smem:$0x3FB0]  }
0x2e: {  	s3 =	simm.s32 @!p0 $0x1082;
	s9 =	sld [smem:$0x3FB1]  }
0x2f: {  	lr =	sadd.s32 s0, s3;
	s0 =	sld [smem:$0x3FA8]  }
0x30: {  	s3 =	sld [smem:$0x3FAB]  }
0x31: {  	[smem:$0x3FB4] =	sst s10  }
0x32: {  	s10 =	sld [smem:$0x3FB2];
	_ =	sdelay $0x3  }
0x33: {  	p0 =	seq.s32 s10, $0x1;
	s10 =	sld [smem:$0x3FB4];
	_ =	sdelay $0x3  }
0x34: {  	[smem:$0x3FB4] =	sst s10  }
0x35: {  	s10 =	sld [smem:$0x3FB3];
	_ =	sdelay $0x3  }
0x36: {  	p1 =	seq.s32 s10, $0x1;
	s10 =	sld [smem:$0x3FB4];
	_ =	sdelay $0x3  }
0x37: {  	[smem:$0x3FB4] =	sst s10  }
0x38: {  	s10 =	sld [smem:$0x3FB5]  }
0x39: {  	_ = 	snop;
	(pc) =	sbr.ind lr, $3  }
0x3a: {  	_ = 	snop  }
0x3b: {  	_ = 	snop  }
0x3c: {  	p2 =	seq.s32 s10, $0x1;
	s10 =	sld [smem:$0x3FB4]  }
0x3d: {  	_ =	shalt  }
0x3e: {  	_ =	shalt  }
0x3f: {  	_ =	shalt  }
0x40: {  	_ =	shalt  }
0x41: {  	_ =	shalt  }
0x42: {  	_ =	shalt  }
0x43: {  	_ =	shalt  }
0x44: {  	_ =	shalt  }
0x45: {  	_ =	shalt  }
0x46: {  	_ =	shalt  }
0x47: {  	_ =	shalt  }
0x48: {  	_ =	shalt  }
0x49: {  	_ =	shalt  }
0x4a: {  	_ =	shalt  }
0x4b: {  	_ =	shalt  }
0x4c: {  	_ =	shalt  }
0x4d: {  	_ =	shalt  }
0x4e: {  	_ =	shalt  }
0x4f: {  	_ =	shalt  }
0x50: {  	_ =	shalt  }
0x51: {  	_ =	shalt  }
0x52: {  	_ =	shalt  }
0x53: {  	_ =	shalt  }
0x54: {  	_ =	shalt  }
0x55: {  	_ =	shalt  }
0x56: {  	_ =	shalt  }
0x57: {  	_ =	shalt  }
0x58: {  	_ =	shalt  }
0x59: {  	_ =	shalt  }
0x5a: {  	_ =	shalt  }
0x5b: {  	_ =	shalt  }
0x5c: {  	_ =	shalt  }
0x5d: {  	_ =	shalt  }
0x5e: {  	_ =	shalt  }
0x5f: {  	_ =	shalt  }
0x60: {  	_ =	shalt  }
0x61: {  	_ =	shalt  }
0x62: {  	_ =	shalt  }
0x63: {  	_ =	shalt  }
0x64: {  	_ =	shalt  }
0x65: {  	_ =	shalt  }
0x66: {  	_ =	shalt  }
0x67: {  	_ =	shalt  }
0x68: {  	_ =	shalt  }
0x69: {  	_ =	shalt  }
0x6a: {  	_ =	shalt  }
0x6b: {  	_ =	shalt  }
0x6c: {  	_ =	shalt  }
0x6d: {  	_ =	shalt  }
0x6e: {  	_ =	shalt  }
0x6f: {  	_ =	shalt  }
0x70: {  	_ =	shalt  }
0x71: {  	_ =	shalt  }
0x72: {  	_ =	shalt  }
0x73: {  	_ =	shalt  }
0x74: {  	_ =	shalt  }
0x75: {  	_ =	shalt  }
0x76: {  	_ =	shalt  }
0x77: {  	_ =	shalt  }
0x78: {  	_ =	shalt  }
0x79: {  	_ =	shalt  }
0x7a: {  	_ =	shalt  }
0x7b: {  	_ =	shalt  }
0x7c: {  	_ =	shalt  }
0x7d: {  	_ =	shalt  }
0x7e: {  	_ =	shalt  }
0x7f: {  	_ =	shalt  }
0x80: {  	_ =	shalt  }
0x81: {  	_ =	shalt  }
0x82: {  	_ =	shalt  }
0x83: {  	_ =	shalt  }
0x84: {  	_ =	shalt  }
0x85: {  	_ =	shalt  }
0x86: {  	_ =	shalt  }
0x87: {  	_ =	shalt  }
.Lfunc_end0:
.L_simem_size_0:
called_computation.1_lowered:
.L_overlay_start_0:
0x88: {  	s2 =	sld [smem:$0x3FD9]  }
0x89: {  	s3 =	sld [smem:$0x3FFE];
	_ =	sdelay $0x1  }
0x8a: {  	s1 =	srdreg.scid  }
0x8b: {  	s0 =	sand.u32 $0x1, s1  }
0x8c: {  	s16 =	sshll.u32 s0, $0xA;
	s2 =	sadd.s32 s3, s2  }
0x8d: {  	s2 =	sadd.s32 s2, s16  }
0x8e: {  	[smem:$0x3FC0] =	sst s2  }
0x8f: {  	_ = 	snop  }
0x90: {  	(tm) =	ssettm $0x1  }
0x91: {  	s17 =	sld [smem:$0x3FFB];
	_ =	sdelay $0x3  }
0x92: {  	_ =	strace s17  }
0x93: {  	s2 =	sld [smem:$0x3FFC];
	_ =	sdelay $0x3  }
0x94: {  	_ =	strace s2  }
0x95: {  	s2 =	sld [smem:$0x3FFD];
	_ =	sdelay $0x3  }
0x96: {  	_ =	strace s2  }
0x97: {  	_ =	strace $0x8FFFFFFF  }
0x98: {  	s18 =	sld [smem:$0x3FDB];
	_ =	sdelay $0x1  }
0x99: {  	s19 =	simm.s32 $_scs_section_size  }
0x9a: {  	s4 =	simm.s32 $_size__tile_overlayer_lowered;
	s5 =	simm.s32 $_tile_overlayer_lowered  }
0x9b: {  	s22 =	simm.s32 $0x1BFF;
	s21 =	sshll.u32 s5, $0x1;
	s2 =	sadd.s32 s19, s18  }
0x9c: {  	s6 =	simm.s32 $0x0;
	s20 =	sshll.u32 s4, $0x1;
	s4 =	sadd.s32 s21, s2  }
0x9d: {  	[timem:s6], [sflag:s22] =	dma.local [hbm:s4], s20  }
0x9e: {  	_ =	swait.ge [sflag:s22], s20  }
0x9f: {  	s3 =	ssub.s32 $0x0, s20;
	[sflag:s22] =	ssyncset.done $0x0  }
0xa0: {  	[sflag:s22] =	ssyncadd.s32 s3;
	_ =	sdelay $0x1  }
0xa1: {  	s23 =	simm.s32 $0x1B8B  }
0xa2: {  	_ =	swait.ge [sflag:s23], $0x1  }
0xa3: {  	[sflag:s23] =	ssyncset.done $0x0  }
0xa4: {  	s25 =	simm.s32 $0x1B8E;
	s24 =	sld [smem:$0x3FFE];
	[sflag:s23] =	ssyncadd.s32 $0xFFFFFFFF  }
0xa5: {  	s26 =	simm.s32 $execute0_lowered;
	[smem:$0x3FD2] =	sst s25  }
0xa6: {  	s4 =	sshll.u32 s26, $0x1;
	_ =	strace $0x80000046;
	[dreg:$0x1] =	wrdreg $0xFFFFFFFF  }
0xa7: {  	s28 =	simm.s32 $_size_execute0_lowered;
	s2 =	sadd.s32 s2, s4;
	[dreg:$0x0] =	wrdreg $0x0  }
0xa8: {  	s4 =	sshll.u32 s28, $0x1;
	[dreg:$0x2] =	wrdreg s2  }
0xa9: {  	[dreg:$0x3] =	wrdreg s4  }
0xaa: {  	[dreg:$0x4] =	wrdreg $0xC0  }
0xab: {  	_ =	task [dreg:s6], $0x5FFFF  }
0xac: {  	[dreg:$0x1] =	wrdreg $0xFFFFFFFF  }
0xad: {  	[dreg:$0x0] =	wrdreg $0x60  }
0xae: {  	[dreg:$0x2] =	wrdreg s24  }
0xaf: {  	[dreg:$0x3] =	wrdreg $0x9  }
0xb0: {  	_ =	task.clear_ibuf [dreg:s6], $0x4FFFF;
	_ =	strace $0x90000046  }
0xb1: {  	s29 =	simm.s32 $0x9;
	_ =	strace $0x80000048  }
0xb2: {  	_ =	swait.ge [sflag:s29], $0x1  }
0xb3: {  	[sflag:s29] =	ssyncadd.s32 $0xFFFFFFFF  }
0xb4: {  	_ =	strace $0x90000048  }
0xb5: {  	_ =	sfence  }
0xb6: {  	s30 =	sld [smem:$0x0];
	_ =	sdelay $0x2  }
0xb7: {  	s31 =	sshll.u32 s1, $0xD;
	s1 =	sshrl.u32 s1, $0x2  }
0xb8: {  	s3 =	sand.u32 $0x4000, s31;
	s1 =	sadd.s32 s1, s30  }
0xb9: {  	s0 =	sor.u32 s3, s0;
	s1 =	sshll.u32 s1, $0x11  }
0xba: {  	s0 =	sor.u32 s1, s0  }
0xbb: {  	s0 =	sadd.s32 $0x8F2B, s0  }
0xbc: {  	[sflag:s0] =	ssyncadd.remote.s32 $0x1  }
0xbd: {  	_ =	sfence.sel $0xFFFF  }
0xbe: {  	[dreg:$0x0] =	wrdreg $0xFFFFFFFF;
	(pc) =	sbr.abs _section_cstart, $3  }
0xbf: {  	[dreg:$0x1] =	wrdreg $0xFFFFFFFF  }
0xc0: {  	_ =	task.clear_ibuf [dreg:s6], $0x2FFFF;
	_ =	strace $0x9FFFFFFF  }
0xc1: {  	(tm) =	ssettm $0x7FFFFFFF  }
tec
execute0_lowered:
.L_overlay_start_1:
0x0: {  	(tag) =	ssettag $0x1  }
0x1: {  	s1 =	srdreg.scid;
	s0 =	stileid.u32  }
0x2: {  	s5 =	rddreg [dreg:$0x0];
	s2 =	simm.s32 $0x0;
	s10 =	simm.s32 $0x400  }
0x3: {  	s11 =	simm.s32 $0x1;
	s12 =	simm.s32 $0x2800;
	s13 =	simm.s32 $0x2  }
0x4: {  	s14 =	simm.s32 $0x5000;
	s6 =	sand.u32 $0x1, s1;
	s1 =	rddreg [dreg:$0x1]  }
0x5: {  	s15 =	simm.s32 $0x0;
	s3 =	sshll.u32 s0, $0x1;
	[smem:$0x7FF] =	sst s2  }
.Ltmp0:
0x6: {  	s3 =	sor.u32 s6, s3;
	s6 =	ssub.s32 $0x2, s6;
	(pc) =	sbr.rel .LBB2_1-.Ltmp0, $4  }
0x7: {  	s4 =	sadd.s32 $0x29C00, s5;
	s7 =	smul.u32 $0x500, s3;
	s31 =	sshrl.u32 s6, $0x1  }
0x8: {  	_ =	strace $0x80000047;
	s8 =	sshll.u32 s3, $0x7;
	s9 =	ssub.s32 s6, s31  }
0x9: {  	s7 =	sadd.s32 s7, s5;
	s5 =	sand.u32 $0x380, s8;
	s8 =	smax.u32 s9, $0x1  }
0xa: {  	v0 =	vimm.s32 $0x0;
	s9 =	simm.s32 $0x80;
	s6 =	sadd.s32 $0xC68C00, s7;
	s7 =	sadd.s32 $0xC5EC00, s7  }
.LBB2_9:
0xb: {  	[hbm4b:s6+s2] =	stream.linear.scatter [tilespmem:s12], [sflag:$0x2], $0x2800, $0x38;
	[tilespmem:$0x7800] =	vst v63  }
0xc: {  	s15 =	sadd.s32 $0x1, s15;
	_ =	swait.ge [sflag:s13], $0x2800  }
0xd: {  	p0 =	sne.s32 s15, s8;
	[sflag:s13] =	ssyncset.done $0x0  }
.Ltmp1:
0xe: {  	[sflag:s13] =	ssyncadd.s32 $0xFFFFD800;
	(pc) =	sbr.rel @!p0 .LBB2_10-.Ltmp1, $4  }
0xf: {  	[hbm4b:s7+s2] =	stream.linear.scatter [tilespmem:s14], [sflag:$0x2], $0x2800, $0x38;
	[tilespmem:$0x7800] =	vst v63  }
0x10: {  	_ =	swait.ge [sflag:s13], $0x2800  }
0x11: {  	[sflag:s13] =	ssyncset.done $0x0  }
0x12: {  	[sflag:s13] =	ssyncadd.s32 $0xFFFFD800  }
.LBB2_1:
0x13: {  	s16 =	simm.s32 $0x0  }
.LBB2_2:
0x14: {  	p0 =	sne.s32 s16, $0x9FC0  }
.Ltmp2:
0x15: {  	_ = 	snop;
	(pc) =	sbr.rel @p0 .LBB2_2-.Ltmp2, $4  }
0x16: {  	_ = 	snop  }
0x17: {  	s17 =	sshra.s32 s16, $0x2  }
0x18: {  	[tilespmem:s17+$0x2800] =	vst v0  }
0x19: {  	s16 =	sadd.s32 $0x40, s16;
	[tilespmem:s17+$0x5000] =	vst v0  }
.Ltmp3:
0x1a: {  	(pc) =	sbr.rel .LBB2_4-.Ltmp3, $2  }
0x1b: {  	_ =	sdelay $0x2  }
0x1c: {  	s19 =	simm.s32 $0x0;
	s16 =	simm.s32 $0x0  }
.LBB2_8:
0x1d: {  	s16 =	sadd.s32 $0x1, s16  }
0x1e: {  	p0 =	sne.s32 s16, $0x139  }
.Ltmp4:
0x1f: {  	_ = 	snop;
	(pc) =	sbr.rel @!p0 .LBB2_9-.Ltmp4, $1  }
0x20: {  	_ =	sdelay $0x3  }
.LBB2_4:
0x21: {  	s17 =	sshll.u32 s16, $0x5  }
0x22: {  	s18 =	sor.u32 s3, s17  }
0x23: {  	p0 =	sgt.u32 s18, $0x270F  }
.Ltmp5:
0x24: {  	_ = 	snop;
	(pc) =	sbr.rel @p0 .LBB2_8-.Ltmp5, $1  }
0x25: {  	_ =	sdelay $0x3  }
0x26: {  	s17 =	sshrl.u32 s18, $0x3  }
0x27: {  	s17 =	smul.u32 $0x14000, s17;
	_ =	sdelay $0x1  }
0x28: {  	s17 =	sor.u32 s5, s17  }
0x29: {  	s17 =	sshrl.u32 s17, $0x3  }
0x2a: {  	s20 =	sadd.s32 s4, s17;
	s17 =	simm.s32 $0x0  }
0x2b: {  	[tilespmem:s17], [sflag:$0x1] =	stream.strided.gather [hbm4b:s20+s9], $0x2800, s10, s9, $0x38;
	[tilespmem:$0x7800] =	vst v63  }
0x2c: {  	_ =	swait.ge [sflag:s11], $0x2800  }
0x2d: {  	[sflag:s11] =	ssyncset.done $0x0  }
0x2e: {  	[sflag:s11] =	ssyncadd.s32 $0xFFFFD800  }
0x2f: {  	v1 =	vld [tilespmem:s17+$0x0];
	_ =	sdelay $0x4  }
0x30: {  	v2 =	vtrunc.f32 v1  }
0x31: {  	v2 =	vcvt.f32.s32 v2;
	_ =	sdelay $0x1  }
0x32: {  	(xrf0) =	vadd.scan.msk.s32 $0xffff, v2;
	_ =	sdelay $0x5  }
0x33: {  	v2, _, _ =	vpop (xrf0)  }
0x34: {  	(v2sf) =	vpush v2, $0xF;
	_ =	sdelay $0xe  }
0x35: {  	s20 =	spop (v2sf)  }
0x36: {  	p1 =	slt.s32 s20, $0x1  }
0x37: {  	v3 =	vmov @!p1 s19  }
0x38: {  	v3 =	vadd.s32 @!p1 $0xFFFFFFFF, v3  }
0x39: {  	v3 =	vbroadcast @!p1 v3, $0x0;
	_ =	sdelay $0x1  }
0x3a: {  	vm0 =	vlt.f32 @!p1 v1, $0.0e+00;
	vm1 =	vgt.f32 @!p1 v1, $0.0e+00;
	v1 =	vadd.s32 @!p1 v2, v3  }
0x3b: {  	vm0 =	vmor @!p1 vm1, vm0;
	vm1 =	vlt.s32 @!p1 v1, $0x27FF  }
0x3c: {  	v2 =	vnsel @!p1 vm1, $0x27FF, v1;
	_ =	sdelay $0x2  }
0x3d: {  	s21 =	sadd.s32 @!p1 s19, s20;
	v1 =	vlaneseq.u32 @!p1  }
0x3e: {  	s21 =	smov.u32 @p1 s19;
	s19 =	simm.s32 @!p1 $0x2800;
	v3 =	vor.u32 @!p1 s17, v1  }
0x3f: {  	s20 =	simm.s32 @!p1 $0x5000;
	v1 =	vmov s18;
	s18 =	simm.s32 $0x10;
	[tilespmem:v2+s19+$0x0] =	vst.idx.msk @!p1 vm0, v3;
	s19 =	smov.u32 s21  }
.LBB2_6:
0x40: {  	s21 =	smov.u32 s19  }
0x41: {  	s17 =	sadd.s32 $0x10, s17;
	[tilespmem:v2+s20+$0x0] =	vst.idx.msk @!p1 vm0, v1;
	s20 =	smov.u32 s18;
	s18 =	sadd.s32 $0x10, s18  }
0x42: {  	v2 =	vld [tilespmem:s17+$0x0];
	p0 =	sne.s32 s18, $0x2800;
	_ =	sdelay $0x4  }
0x43: {  	v3 =	vtrunc.f32 v2  }
0x44: {  	v3 =	vcvt.f32.s32 v3;
	_ =	sdelay $0x1  }
0x45: {  	(xrf0) =	vadd.scan.msk.s32 $0xffff, v3;
	_ =	sdelay $0x5  }
0x46: {  	v3, _, _ =	vpop (xrf0)  }
0x47: {  	(v2sf) =	vpush v3, $0xF;
	_ =	sdelay $0xe  }
0x48: {  	s19 =	spop (v2sf)  }
0x49: {  	p1 =	slt.s32 s19, $0x1  }
0x4a: {  	v4 =	vmov @!p1 s21;
	vm0 =	vlt.f32 @!p1 v2, $0.0e+00;
	vm1 =	vgt.f32 @!p1 v2, $0.0e+00;
	s19 =	sadd.s32 @!p1 s21, s19  }
0x4b: {  	v2 =	vadd.s32 @!p1 $0xFFFFFFFF, v4;
	vm0 =	vmor @!p1 vm1, vm0;
	v4 =	vlaneseq.u32 @!p1;
	s19 =	smov.u32 @p1 s21  }
0x4c: {  	v2 =	vbroadcast @!p1 v2, $0x0;
	v4 =	vor.u32 @!p1 s20, v4;
	_ =	sdelay $0x1  }
0x4d: {  	v2 =	vadd.s32 @!p1 v3, v2  }
0x4e: {  	vm1 =	vlt.s32 @!p1 v2, $0x27FF  }
0x4f: {  	v2 =	vnsel @!p1 vm1, $0x27FF, v2  }
.Ltmp6:
0x50: {  	(pc) =	sbr.rel @p0 .LBB2_6-.Ltmp6, $3  }
0x51: {  	_ =	sdelay $0x1  }
0x52: {  	s20 =	simm.s32 @!p1 $0x2800  }
0x53: {  	[tilespmem:v2+s20+$0x0] =	vst.idx.msk @!p1 vm0, v4;
	s20 =	simm.s32 @!p1 $0x5000  }
0x54: {  	_ = 	snop  }
.Ltmp7:
0x55: {  	_ = 	snop;
	(pc) =	sbr.rel .LBB2_8-.Ltmp7, $2  }
0x56: {  	_ =	sdelay $0x2  }
0x57: {  	[tilespmem:v2+s20+$0x0] =	vst.idx.msk @!p1 vm0, v1  }
.LBB2_10:
0x58: {  	_ =	sfence.sel $0x180000  }
0x59: {  	[bflag:$0x0] =	sbarrier.arrive $0xFFFF  }
0x5a: {  	p0 =	sne.s32 s0, $0x0;
	_ =	strace $0x90000047  }
0x5b: {  	s0 =	sadd.s32 @!p0 $0x100000, s1;
	[bflag:$0x2] =	sbarrier.arrive $0xFFFF  }
0x5c: {  	[sflag:s0] =	ssyncadd.tile.s32 @!p0 $0x1;
	_ =	shalt  }
.Lfunc_end2:
_tile_overlayer_lowered:
.L_overlay_start_2:
0x5d: {  	(tag) =	ssettag $0x2  }
0x5e: {  	s0 =	rddreg [dreg:$0x0];
	s2 =	stileid.u32  }
0x5f: {  	s1 =	rddreg [dreg:$0x1];
	p0 =	sne.s32 s2, $0x0  }
0x60: {  	s3 =	rddreg [dreg:$0x2];
	[bflag:$0x3] =	sbarrier.arrive $0xFFFF;
	s2 =	simm.s32 @!p0 $0x1C02  }
0x61: {  	[timem:s3], [sflag:s2] =	dma.local @!p0 [hbm:s0], s1  }
0x62: {  	s0 =	simm.s32 @!p0 $0x2  }
0x63: {  	_ =	swait.ge @!p0 [sflag:s0], s1  }
0x64: {  	s1 =	ssub.s32 @!p0 $0x0, s1;
	[sflag:s0] =	ssyncset.done @!p0 $0x0  }
0x65: {  	[sflag:s0] =	ssyncadd.s32 @!p0 s1  }
0x66: {  	[bflag:$0x3] =	sbarrier.arrive $0xFFFF  }
0x67: {  	_ =	shalt  }

// kernel: scatter_offload_async_start
scs
__scs_entry_jumppad:
0x0: {  	(pc) =	sbr.rel $0x88, $3  }
0x1: {  	(tag) =	ssettag $0x0;
	lr =	simm.s32 $0x1  }
0x2: {  	[smem:$0x3F99] =	sst lr;
	_ =	strace $0xD0000000  }
0x3: {  	_ = 	snop  }
0x4: {  	_ = 	snop  }
0x5: {  	_ = 	snop  }
0x6: {  	_ = 	snop  }
0x7: {  	_ = 	snop  }
__scs_overlays_trampoline_lowered:
0x8: {  	[smem:$0x3FA8] =	sst s0  }
0x9: {  	[smem:$0x3FA9] =	sst s1  }
0xa: {  	[smem:$0x3FAA] =	sst s2  }
0xb: {  	[smem:$0x3FAB] =	sst s3  }
0xc: {  	[smem:$0x3FAC] =	sst s4  }
0xd: {  	[smem:$0x3FAD] =	sst s5  }
0xe: {  	[smem:$0x3FAE] =	sst s6  }
0xf: {  	[smem:$0x3FAF] =	sst s7  }
0x10: {  	[smem:$0x3FB0] =	sst s8  }
0x11: {  	[smem:$0x3FB1] =	sst s9;
	s0 =	simm.s32 @!p0 $0x0  }
0x12: {  	s1 =	sld [smem:$0x3F97];
	s0 =	simm.s32 @p0 $0x1  }
0x13: {  	[smem:$0x3FB2] =	sst s0;
	s0 =	simm.s32 @!p1 $0x0  }
0x14: {  	s2 =	sld [smem:$0x3F96];
	s0 =	simm.s32 @p1 $0x1  }
0x15: {  	[smem:$0x3FB3] =	sst s0;
	s0 =	simm.s32 @!p2 $0x0  }
0x16: {  	s3 =	sld [smem:$0x3FDB];
	s0 =	simm.s32 @p2 $0x1  }
0x17: {  	s4 =	simm.s32 $0x1BF5;
	[smem:$0x3FB5] =	sst s0  }
0x18: {  	s0 =	sld [smem:$0x3F98];
	_ =	swait.ge [sflag:s4], $0x0  }
0x19: {  	s7 =	sld [smem:$0x3F99]  }
0x1a: {  	s8 =	sadd.s32 $0xFFFFE003, lr  }
0x1b: {  	s9 =	sadd.s32 $0xFFFFFEF7, lr;
	s5 =	simm.s32 $0xFFFFFFFF;
	p2 =	slt.u32 s8, $0xFFFFF086  }
0x1c: {  	p1 =	slt.u32 s9, $0xF7A;
	s5 =	simm.s32 @!p2 $0x0  }
0x1d: {  	s5 =	simm.s32 @p1 $0x1;
	p0 =	seq.s32 s7, s2  }
0x1e: {  	s7 =	smul.u32 @!p0 $0xF7A, s2;
	p2 =	seq.s32 @!p0 s5, $0x0  }
0x1f: {  	s9 =	smul.u32 $0xF7A, s1;
	s8 =	simm.s32 @!p0 $0x1BF5;
	p2 =	por !p2, p0  }
0x20: {  	[sflag:s8] =	ssyncset.s32 @!p0 $0xFFFFF086;
	s6 =	sadd.s32 @!p0 s3, s7;
	s7 =	simm.s32 @!p0 $0x108  }
0x21: {  	s3 =	sadd.s32 s3, s9;
	s6 =	sadd.s32 @!p0 $0x88, s6;
	s7 =	simm.s32 @p2 $0x1082  }
0x22: {  	[simem:s7], [sflag:s8] =	dma.local @!p0 [hbm:s6], $0xF7A  }
0x23: {  	s9 =	sor.u32 $0xD0000000, s2;
	s6 =	simm.s32 $0x108;
	_ =	swait.ge @!p0 [sflag:s8], $0x0  }
0x24: {  	s3 =	sadd.s32 $0x88, s3;
	s6 =	simm.s32 @!p1 $0x1082;
	[sflag:s4] =	ssyncset.s32 $0xFFFFF086  }
0x25: {  	[simem:s6], [sflag:s4] =	dma.local [hbm:s3], $0xF7A  }
0x26: {  	[smem:$0x3F99] =	sst s1;
	(tag) =	ssettag s2;
	_ =	strace s9  }
0x27: {  	s1 =	sld [smem:$0x3FA9]  }
0x28: {  	s2 =	sld [smem:$0x3FAA]  }
0x29: {  	s4 =	sld [smem:$0x3FAC]  }
0x2a: {  	p0 =	seq.s32 s5, $0x0;
	s5 =	sld [smem:$0x3FAD]  }
0x2b: {  	s6 =	sld [smem:$0x3FAE]  }
0x2c: {  	s7 =	sld [smem:$0x3FAF]  }
0x2d: {  	s3 =	simm.s32 $0x108;
	s8 =	sld [smem:$0x3FB0]  }
0x2e: {  	s3 =	simm.s32 @!p0 $0x1082;
	s9 =	sld [smem:$0x3FB1]  }
0x2f: {  	lr =	sadd.s32 s0, s3;
	s0 =	sld [smem:$0x3FA8]  }
0x30: {  	s3 =	sld [smem:$0x3FAB]  }
0x31: {  	[smem:$0x3FB4] =	sst s10  }
0x32: {  	s10 =	sld [smem:$0x3FB2];
	_ =	sdelay $0x3  }
0x33: {  	p0 =	seq.s32 s10, $0x1;
	s10 =	sld [smem:$0x3FB4];
	_ =	sdelay $0x3  }
0x34: {  	[smem:$0x3FB4] =	sst s10  }
0x35: {  	s10 =	sld [smem:$0x3FB3];
	_ =	sdelay $0x3  }
0x36: {  	p1 =	seq.s32 s10, $0x1;
	s10 =	sld [smem:$0x3FB4];
	_ =	sdelay $0x3  }
0x37: {  	[smem:$0x3FB4] =	sst s10  }
0x38: {  	s10 =	sld [smem:$0x3FB5]  }
0x39: {  	_ = 	snop;
	(pc) =	sbr.ind lr, $3  }
0x3a: {  	_ = 	snop  }
0x3b: {  	_ = 	snop  }
0x3c: {  	p2 =	seq.s32 s10, $0x1;
	s10 =	sld [smem:$0x3FB4]  }
0x3d: {  	_ =	shalt  }
0x3e: {  	_ =	shalt  }
0x3f: {  	_ =	shalt  }
0x40: {  	_ =	shalt  }
0x41: {  	_ =	shalt  }
0x42: {  	_ =	shalt  }
0x43: {  	_ =	shalt  }
0x44: {  	_ =	shalt  }
0x45: {  	_ =	shalt  }
0x46: {  	_ =	shalt  }
0x47: {  	_ =	shalt  }
0x48: {  	_ =	shalt  }
0x49: {  	_ =	shalt  }
0x4a: {  	_ =	shalt  }
0x4b: {  	_ =	shalt  }
0x4c: {  	_ =	shalt  }
0x4d: {  	_ =	shalt  }
0x4e: {  	_ =	shalt  }
0x4f: {  	_ =	shalt  }
0x50: {  	_ =	shalt  }
0x51: {  	_ =	shalt  }
0x52: {  	_ =	shalt  }
0x53: {  	_ =	shalt  }
0x54: {  	_ =	shalt  }
0x55: {  	_ =	shalt  }
0x56: {  	_ =	shalt  }
0x57: {  	_ =	shalt  }
0x58: {  	_ =	shalt  }
0x59: {  	_ =	shalt  }
0x5a: {  	_ =	shalt  }
0x5b: {  	_ =	shalt  }
0x5c: {  	_ =	shalt  }
0x5d: {  	_ =	shalt  }
0x5e: {  	_ =	shalt  }
0x5f: {  	_ =	shalt  }
0x60: {  	_ =	shalt  }
0x61: {  	_ =	shalt  }
0x62: {  	_ =	shalt  }
0x63: {  	_ =	shalt  }
0x64: {  	_ =	shalt  }
0x65: {  	_ =	shalt  }
0x66: {  	_ =	shalt  }
0x67: {  	_ =	shalt  }
0x68: {  	_ =	shalt  }
0x69: {  	_ =	shalt  }
0x6a: {  	_ =	shalt  }
0x6b: {  	_ =	shalt  }
0x6c: {  	_ =	shalt  }
0x6d: {  	_ =	shalt  }
0x6e: {  	_ =	shalt  }
0x6f: {  	_ =	shalt  }
0x70: {  	_ =	shalt  }
0x71: {  	_ =	shalt  }
0x72: {  	_ =	shalt  }
0x73: {  	_ =	shalt  }
0x74: {  	_ =	shalt  }
0x75: {  	_ =	shalt  }
0x76: {  	_ =	shalt  }
0x77: {  	_ =	shalt  }
0x78: {  	_ =	shalt  }
0x79: {  	_ =	shalt  }
0x7a: {  	_ =	shalt  }
0x7b: {  	_ =	shalt  }
0x7c: {  	_ =	shalt  }
0x7d: {  	_ =	shalt  }
0x7e: {  	_ =	shalt  }
0x7f: {  	_ =	shalt  }
0x80: {  	_ =	shalt  }
0x81: {  	_ =	shalt  }
0x82: {  	_ =	shalt  }
0x83: {  	_ =	shalt  }
0x84: {  	_ =	shalt  }
0x85: {  	_ =	shalt  }
0x86: {  	_ =	shalt  }
0x87: {  	_ =	shalt  }
.Lfunc_end0:
.L_simem_size_0:
called_computation_lowered:
.L_overlay_start_0:
0x88: {  	s2 =	sld [smem:$0x3FD9]  }
0x89: {  	s3 =	sld [smem:$0x3FFE];
	_ =	sdelay $0x1  }
0x8a: {  	s1 =	srdreg.scid  }
0x8b: {  	s0 =	sand.u32 $0x1, s1  }
0x8c: {  	s15 =	sshll.u32 s0, $0xA;
	s2 =	sadd.s32 s3, s2  }
0x8d: {  	s2 =	sadd.s32 s2, s15  }
0x8e: {  	[smem:$0x3FC0] =	sst s2  }
0x8f: {  	_ = 	snop  }
0x90: {  	(tm) =	ssettm $0x1  }
0x91: {  	s16 =	sld [smem:$0x3FFB];
	_ =	sdelay $0x3  }
0x92: {  	_ =	strace s16  }
0x93: {  	s2 =	sld [smem:$0x3FFC];
	_ =	sdelay $0x3  }
0x94: {  	_ =	strace s2  }
0x95: {  	s2 =	sld [smem:$0x3FFD];
	_ =	sdelay $0x3  }
0x96: {  	_ =	strace s2  }
0x97: {  	_ =	strace $0x8FFFFFFF  }
0x98: {  	s17 =	sld [smem:$0x3FDB];
	_ =	sdelay $0x1  }
0x99: {  	s18 =	simm.s32 $_scs_section_size  }
0x9a: {  	s4 =	simm.s32 $_size__tile_overlayer_lowered;
	s5 =	simm.s32 $_tile_overlayer_lowered  }
0x9b: {  	s21 =	simm.s32 $0x1BFF;
	s20 =	sshll.u32 s5, $0x1;
	s2 =	sadd.s32 s18, s17  }
0x9c: {  	s6 =	simm.s32 $0x0;
	s19 =	sshll.u32 s4, $0x1;
	s4 =	sadd.s32 s20, s2  }
0x9d: {  	[timem:s6], [sflag:s21] =	dma.local [hbm:s4], s19  }
0x9e: {  	_ =	swait.ge [sflag:s21], s19  }
0x9f: {  	s3 =	ssub.s32 $0x0, s19;
	[sflag:s21] =	ssyncset.done $0x0  }
0xa0: {  	[sflag:s21] =	ssyncadd.s32 s3;
	_ =	sdelay $0x1  }
0xa1: {  	s22 =	simm.s32 $0x1B8B  }
0xa2: {  	_ =	swait.ge [sflag:s22], $0x1  }
0xa3: {  	[sflag:s22] =	ssyncset.done $0x0  }
0xa4: {  	s23 =	sld [smem:$0x3FFE];
	[sflag:s22] =	ssyncadd.s32 $0xFFFFFFFF  }
0xa5: {  	s25 =	simm.s32 $0x1B8E;
	s24 =	sld [smem:$0x0]  }
0xa6: {  	s26 =	simm.s32 $execute0_lowered;
	[smem:$0x3FD2] =	sst s25  }
0xa7: {  	s5 =	sshll.u32 s26, $0x1;
	_ =	strace $0x80000049;
	[dreg:$0x1] =	wrdreg $0xFFFFFFFF  }
0xa8: {  	s28 =	simm.s32 $_size_execute0_lowered;
	s2 =	sadd.s32 s2, s5;
	[dreg:$0x0] =	wrdreg $0x0  }
0xa9: {  	s5 =	sshll.u32 s28, $0x1;
	[dreg:$0x2] =	wrdreg s2  }
0xaa: {  	[dreg:$0x3] =	wrdreg s5  }
0xab: {  	[dreg:$0x4] =	wrdreg $0xC0  }
0xac: {  	_ =	task [dreg:s6], $0x5FFFF  }
0xad: {  	[dreg:$0x1] =	wrdreg $0xFFFFFFFF  }
0xae: {  	[dreg:$0x0] =	wrdreg $0x60  }
0xaf: {  	[dreg:$0x2] =	wrdreg s23  }
0xb0: {  	[dreg:$0x3] =	wrdreg s1  }
0xb1: {  	[dreg:$0x4] =	wrdreg s24  }
0xb2: {  	[dreg:$0x5] =	wrdreg $0x9  }
0xb3: {  	_ =	task.clear_ibuf [dreg:s6], $0x6FFFF;
	_ =	strace $0x90000049  }
0xb4: {  	s29 =	simm.s32 $0x9;
	_ =	strace $0x8000004B  }
0xb5: {  	_ =	swait.ge [sflag:s29], $0x1  }
0xb6: {  	[sflag:s29] =	ssyncadd.s32 $0xFFFFFFFF  }
0xb7: {  	_ =	strace $0x9000004B  }
0xb8: {  	_ =	sfence  }
0xb9: {  	s30 =	sld [smem:$0x0];
	_ =	sdelay $0x2  }
0xba: {  	s31 =	sshll.u32 s1, $0xD;
	s1 =	sshrl.u32 s1, $0x2  }
0xbb: {  	s3 =	sand.u32 $0x4000, s31;
	s1 =	sadd.s32 s1, s30  }
0xbc: {  	s0 =	sor.u32 s3, s0;
	s1 =	sshll.u32 s1, $0x11  }
0xbd: {  	s0 =	sor.u32 s1, s0  }
0xbe: {  	s0 =	sadd.s32 $0x8F2B, s0  }
0xbf: {  	[sflag:s0] =	ssyncadd.remote.s32 $0x1  }
0xc0: {  	_ =	sfence.sel $0xFFFF  }
0xc1: {  	[dreg:$0x0] =	wrdreg $0xFFFFFFFF;
	(pc) =	sbr.abs _section_cstart, $3  }
0xc2: {  	[dreg:$0x1] =	wrdreg $0xFFFFFFFF  }
0xc3: {  	_ =	task.clear_ibuf [dreg:s6], $0x2FFFF;
	_ =	strace $0x9FFFFFFF  }
0xc4: {  	(tm) =	ssettm $0x7FFFFFFF  }
0xc5: {  	_ =	shalt  }
tec
execute0_lowered:
.L_overlay_start_1:
0x0: {  	(tag) =	ssettag $0x1  }
0x1: {  	s2 =	rddreg [dreg:$0x0]  }
0x2: {  	s4 =	rddreg [dreg:$0x1];
	_ =	strace $0x8000004A;
	s0 =	simm.s32 $0x1  }
0x3: {  	s3 =	simm.s32 $0x88;
	v0 =	vimm.s32 $0x0;
	[sflag:s0] =	ssyncpa.u1 $0x0  }
0x4: {  	[tilespmem:s3+$0x30] =	vst v0  }
0x5: {  	s1 =	sadd.s32 $0x2A00, s2;
	s0 =	sadd.s32 $0x36400, s2;
	s6 =	sadd.s32 $0xA4A400, s2;
	[tilespmem:s3+$0x20] =	vst v0  }
0x6: {  	s2 =	sadd.s32 $0x40400, s2;
	s5 =	sand.u32 $0x1, s4;
	s4 =	simm.s32 $0x40;
	[tilespmem:s3+$0x10] =	vst v0  }
.LBB2_1:
0x7: {  	s4 =	sadd.s32 $0x40, s4  }
0x8: {  	[tilespmem:s3+$0x0] =	vst v0;
	s3 =	sadd.s32 $0x40, s3;
	p0 =	slt.u32 s4, $0x5040  }
.Ltmp0:
0x9: {  	(pc) =	sbr.rel @p0 .LBB2_1-.Ltmp0, $4  }
0xa: {  	_ = 	snop  }
0xb: {  	[tilespmem:s3+$0x30] =	vst v0  }
0xc: {  	[tilespmem:s3+$0x20] =	vst v0  }
0xd: {  	[tilespmem:s3+$0x10] =	vst v0  }
0xe: {  	s28 =	simm.s32 $0x2  }
0xf: {  	s4 =	stileid.u32;
	s29 =	simm.s32 $0x9;
	s30 =	simm.s32 $0xA  }
0x10: {  	s7 =	simm.s32 $0xB;
	[dreg:$0x4] =	wrdreg s5;
	s31 =	smul.u32 $0x5000, s5  }
0x11: {  	s16 =	simm.s32 $0x0;
	p0 =	por $0x1, $0x1;
	s17 =	simm.s32 $0xFF  }
0x12: {  	p1 =	por $0x0, $0x0;
	s18 =	simm.s32 $0x1;
	s12 =	simm.s32 $0xC  }
0x13: {  	s23 =	simm.s32 $0x0;
	s21 =	simm.s32 $0x0;
	s9 =	smul.u32 $0x2800, s4  }
.Ltmp1:
0x14: {  	s20 =	simm.s32 $0x0;
	s0 =	sadd.s32 s31, s0;
	(pc) =	sbr.rel .LBB2_3-.Ltmp1, $4  }
0x15: {  	[tilespmem:s3+$0x0] =	vst v0;
	v0 =	vimm.s32 $0xFFFFFFFF;
	[sflag:s28] =	ssyncpa.u1 $0x0;
	s15 =	sshll.u32 s4, $0x7;
	[dreg:$0x8] =	wrdreg s0  }
0x16: {  	[tilespmem:$0xA108] =	vst v0;
	[sflag:s29] =	ssyncpa.u1 $0x0;
	s11 =	sadd.s32 s31, s2;
	[dreg:$0x5] =	wrdreg s9  }
0x17: {  	[sflag:s30] =	ssyncpa.u1 $0x0;
	s10 =	sadd.s32 $0x2800, s9;
	[dreg:$0x7] =	wrdreg s11  }
0x18: {  	v0 =	vlaneseq.u32;
	s22 =	smov.u32 s9;
	[sflag:s7] =	ssyncpa.u1 $0x0;
	[dreg:$0x6] =	wrdreg s10  }
.LBB2_22:
0x19: {  	s2 =	sshrl.u32 s4, $0x2  }
.LBB2_24:
0x1a: {  	_ =	swait.ge [sflag:s12], s2  }
0x1b: {  	s31 =	ssub.s32 $0x0, s2;
	v1 =	vmov s26;
	vm0 =	veq.s32 v0, $0x0;
	[sflag:s12] =	ssyncset.done $0x0  }
0x1c: {  	vm15 =	veq.s32 v0, $0x2;
	v1 =	vsel vm0, s0, v1;
	[sflag:s12] =	ssyncadd.s32 s31  }
0x1d: {  	v1 =	vsel vm15, s23, v1;
	[sflag:s12] =	ssyncpa.u1 $0x1  }
0x1e: {  	[tilespmem:$0xA108] =	vst v1  }
.LBB2_25:
0x1f: {  	s0 =	sadd.s32 $0x140, s22  }
0x20: {  	s2 =	smov.u32 s9;
	s20 =	sadd.s32 $0x1, s20;
	p2 =	slt.s32 s0, s10  }
0x21: {  	s2 =	smov.u32 @p2 s0;
	p2 =	sne.s32 s20, $0x22  }
.Ltmp2:
0x22: {  	_ = 	snop;
	(pc) =	sbr.rel @!p2 .LBB2_26-.Ltmp2, $3  }
0x23: {  	_ =	sdelay $0x1  }
0x24: {  	s23 =	smov.u32 s21;
	s21 =	smov.u32 s22;
	p0 =	por !p0, !p0  }
0x25: {  	s17 =	sadd.s32 $0x1, s17;
	p1 =	por !p1, !p1;
	s22 =	smov.u32 s2  }
.LBB2_3:
0x26: {  	p2 =	sgt.u32 s20, $0x1F  }
0x27: {  	s0 =	smul.u32 @!p2 $0xAB, s20;
	_ =	sdelay $0x1  }
0x28: {  	s0 =	sshrl.u32 @!p2 s0, $0x9  }
0x29: {  	s2 =	smov.u32 s22;
	p3 =	sgt.s32 @!p2 s22, $0x27EC0;
	s0 =	sand.u32 @!p2 $0x7F, s0  }
0x2a: {  	s3 =	sshra.s32 @!p2 s22, $0x1F;
	p3 =	por !p3, p2;
	s0 =	smul.u32 @!p2 $0x3, s0  }
0x2b: {  	s3 =	sand.u32 @!p2 s3, s22;
	s2 =	simm.s32 @p3 $0x27EC0  }
0x2c: {  	s2 =	ssub.s32 @!p2 s2, s3;
	s0 =	ssub.s32 @!p2 s20, s0  }
0x2d: {  	s2 =	sadd.s32 @!p2 $0xFFFD8140, s2;
	s0 =	sand.u32 @!p2 $0xFF, s0  }
0x2e: {  	s3 =	sshll.u32 @!p2 s2, $0x2;
	p3 =	sgt.s32 @!p2 s2, $0x13F;
	s0 =	smul.u32 @!p2 $0x500, s0  }
0x2f: {  	s4 =	sand.u32 @!p2 $0x7, s22;
	s2 =	ssub.s32 @!p2 $0x500, s3;
	p3 =	por !p3, p2  }
0x30: {  	s3 =	sshrl.u32 @!p2 s22, $0x3;
	s2 =	sshrl.u32 @!p2 s2, $0x2;
	s0 =	sshrl.u32 @!p2 s0, $0x2  }
0x31: {  	s3 =	sadd.s32 @!p2 s3, s11;
	s2 =	simm.s32 @!p3 $0x0;
	s0 =	sadd.s32 @!p2 $0xA948, s0  }
0x32: {  	[tilespmem:s0], [sflag:$0xA] =	stream.linear.gather @!p2 [hbm4b:s3+s4], s2, $0x38;
	[tilespmem:$0x1EF88] =	vst v63  }
0x33: {  	s0 =	sadd.s32 $0xFFFFFFFF, s20  }
0x34: {  	p2 =	sgt.u32 s0, $0x1F  }
.Ltmp3:
0x35: {  	_ = 	snop;
	(pc) =	sbr.rel @p2 .LBB2_7-.Ltmp3, $1  }
0x36: {  	_ =	sdelay $0x3  }
0x37: {  	p2 =	sgt.s32 s21, $0x27EC0;
	s2 =	smov.u32 s21;
	s3 =	sshra.s32 s21, $0x1F  }
0x38: {  	s4 =	sand.u32 $0xFF, s17;
	s2 =	simm.s32 @!p2 $0x27EC0;
	s3 =	sand.u32 s3, s21  }
0x39: {  	s31 =	smulhi.u32 $0x55555556, s4;
	s2 =	ssub.s32 s2, s3  }
0x3a: {  	s0 =	sand.u32 $0x1, s0;
	s4 =	smul.u32 $0x500, s4;
	s2 =	sadd.s32 $0xFFFD8140, s2  }
0x3b: {  	s7 =	simm.s32 $0xA;
	s0 =	smul.u32 $0x500, s0;
	s5 =	sshll.u32 s2, $0x2  }
0x3c: {  	s9 =	sshrl.u32 s21, $0x3;
	s3 =	smul.u32 $0xF00, s31;
	s5 =	ssub.s32 $0x500, s5  }
0x3d: {  	s11 =	sand.u32 $0x7, s21;
	p2 =	sgt.s32 s2, $0x13F;
	s2 =	sshrl.u32 s5, $0x2  }
0x3e: {  	s0 =	sshrl.u32 s0, $0x2;
	s3 =	ssub.s32 s4, s3;
	s2 =	simm.s32 @p2 $0x0  }
0x3f: {  	s0 =	sadd.s32 $0xAD08, s0;
	s3 =	sshra.s32 s3, $0x2;
	_ =	swait.ge [sflag:s7], s2  }
0x40: {  	s8 =	ssub.s32 $0x0, s2;
	[sflag:s7] =	ssyncset.done $0x0;
	s10 =	rddreg [dreg:$0x8]  }
0x41: {  	s28 =	sadd.s32 $0xA948, s3;
	[sflag:s7] =	ssyncadd.s32 s8;
	s3 =	sadd.s32 s9, s10  }
0x42: {  	[tilespmem:s0], [sflag:$0xB] =	stream.linear.gather [hbm4b:s3+s11], s2, $0x38;
	[tilespmem:$0x1EF88] =	vst v63  }
0x43: {  	v1 =	vld.msk [tilespmem:s28+$0x0], $0xffff;
	_ =	sdelay $0x4  }
0x44: {  	v1 =	vshll.u32 v1, $0x4  }
0x45: {  	(v2sf) =	vpush v1, $0x0  }
0x46: {  	(v2sf) =	vpush v1, $0x1  }
0x47: {  	(v2sf) =	vpush v1, $0x2;
	_ =	sdelay $0x1  }
0x48: {  	(v2sf) =	vpush v1, $0x3;
	_ =	sdelay $0x1  }
0x49: {  	s0 =	simm.s32 $0x1;
	(v2sf) =	vpush v1, $0x4  }
0x4a: {  	s0 =	simm.s32 @!p0 $0x0  }
0x4b: {  	s0 =	smul.u32 $0x28000, s0;
	(v2sf) =	vpush v1, $0x5;
	_ =	sdelay $0x1  }
0x4c: {  	s0 =	sshrl.u32 s0, $0x2;
	(v2sf) =	vpush v1, $0x6  }
0x4d: {  	s24 =	sadd.s32 $0xB708, s0  }
0x4e: {  	s28 =	sadd.s32 $0x10, s28;
	s0 =	sadd.s32 $0xFFFFFE80, s24;
	s2 =	sadd.s32 $0xFFFFFD00, s24;
	(v2sf) =	vpush v1, $0x7  }
0x4f: {  	s4 =	sadd.s32 $0xFFFFFD80, s24;
	s3 =	sadd.s32 $0xFFFFFE00, s24;
	s5 =	sadd.s32 $0xFFFFFB80, s24  }
0x50: {  	s26 =	sadd.s32 $0xFFFFFA00, s24;
	s29 =	sadd.s32 $0xFFFFFA80, s24;
	s30 =	sadd.s32 $0xFFFFFB00, s24;
	(v2sf) =	vpush v1, $0x8  }
0x51: {  	s31 =	sadd.s32 $0xFFFFF900, s24;
	s7 =	sadd.s32 $0xFFFFF980, s24;
	s8 =	spop (v2sf)  }
0x52: {  	s10 =	sadd.s32 $0xFFFFF880, s24;
	(v2sf) =	vpush v1, $0x9;
	s8 =	sand.u32 $0x1FFFFFF0, s8;
	s11 =	spop (v2sf)  }
0x53: {  	s8 =	sadd.s32 s6, s8;
	s11 =	sand.u32 $0x1FFFFFF0, s11;
	s13 =	spop (v2sf)  }
0x54: {  	[tilespmem:s10], [sflag:$0x9] =	stream.linear.gather [hbm4b:s8+s16], $0x40, $0x38;
	[tilespmem:$0x1EF88] =	vst v63  }
0x55: {  	(v2sf) =	vpush v1, $0xA;
	s12 =	sadd.s32 s6, s11;
	s19 =	sand.u32 $0x1FFFFFF0, s13;
	s9 =	spop (v2sf)  }
0x56: {  	(v2sf) =	vpush v1, $0xB;
	[tilespmem:s31], [sflag:$0x9] =	stream.linear.gather [hbm4b:s12+s16], $0x40, $0x38;
	[tilespmem:$0x1EF88] =	vst v63  }
0x57: {  	s10 =	sadd.s32 s6, s19;
	s13 =	spop (v2sf);
	s12 =	sand.u32 $0x1FFFFFF0, s9  }
0x58: {  	(v2sf) =	vpush v1, $0xC;
	[tilespmem:s7], [sflag:$0x9] =	stream.linear.gather [hbm4b:s10+s16], $0x40, $0x38;
	[tilespmem:$0x1EF88] =	vst v63  }
0x59: {  	s31 =	sand.u32 $0x1FFFFFF0, s13;
	s9 =	spop (v2sf);
	s19 =	sadd.s32 s6, s12  }
0x5a: {  	(v2sf) =	vpush v1, $0xD;
	[tilespmem:s26], [sflag:$0x9] =	stream.linear.gather [hbm4b:s19+s16], $0x40, $0x38;
	[tilespmem:$0x1EF88] =	vst v63  }
0x5b: {  	s11 =	sadd.s32 s6, s31;
	s12 =	sand.u32 $0x1FFFFFF0, s9;
	s13 =	spop (v2sf)  }
0x5c: {  	(v2sf) =	vpush v1, $0xE;
	[tilespmem:s29], [sflag:$0x9] =	stream.linear.gather [hbm4b:s11+s16], $0x40, $0x38;
	[tilespmem:$0x1EF88] =	vst v63  }
0x5d: {  	s19 =	sadd.s32 s6, s12;
	s26 =	sand.u32 $0x1FFFFFF0, s13;
	s29 =	spop (v2sf)  }
0x5e: {  	(v2sf) =	vpush v1, $0xF;
	[tilespmem:s30], [sflag:$0x9] =	stream.linear.gather [hbm4b:s19+s16], $0x40, $0x38;
	[tilespmem:$0x1EF88] =	vst v63  }
0x5f: {  	s14 =	sadd.s32 $0xFFFFFC00, s24;
	s9 =	spop (v2sf);
	s30 =	sadd.s32 s6, s26  }
0x60: {  	[tilespmem:s5], [sflag:$0x9] =	stream.linear.gather [hbm4b:s30+s16], $0x40, $0x38;
	[tilespmem:$0x1EF88] =	vst v63  }
0x61: {  	s25 =	sadd.s32 $0xFFFFFC80, s24;
	s31 =	sand.u32 $0x1FFFFFF0, s29;
	s13 =	spop (v2sf)  }
0x62: {  	s11 =	sadd.s32 s6, s31;
	s12 =	sand.u32 $0x1FFFFFF0, s9;
	s19 =	sand.u32 $0x1FFFFFF0, s13  }
0x63: {  	[tilespmem:s14], [sflag:$0x9] =	stream.linear.gather [hbm4b:s11+s16], $0x40, $0x38;
	[tilespmem:$0x1EF88] =	vst v63  }
0x64: {  	s26 =	spop (v2sf);
	s14 =	sadd.s32 s6, s12;
	s29 =	sadd.s32 s6, s19  }
0x65: {  	s30 =	sand.u32 $0x1FFFFFF0, s26;
	s31 =	spop (v2sf);
	s19 =	sadd.s32 $0xFFFFFF00, s24  }
0x66: {  	[tilespmem:s25], [sflag:$0x9] =	stream.linear.gather [hbm4b:s14+s16], $0x40, $0x38;
	[tilespmem:$0x1EF88] =	vst v63  }
0x67: {  	s5 =	sadd.s32 s6, s30;
	s7 =	sand.u32 $0x1FFFFFF0, s31;
	s8 =	spop (v2sf)  }
0x68: {  	[tilespmem:s2], [sflag:$0x9] =	stream.linear.gather [hbm4b:s29+s16], $0x40, $0x38;
	[tilespmem:$0x1EF88] =	vst v63  }
0x69: {  	s31 =	sadd.s32 $0xFFFFFF80, s24;
	s10 =	sand.u32 $0x1FFFFFF0, s8;
	s11 =	spop (v2sf)  }
0x6a: {  	[tilespmem:s4], [sflag:$0x9] =	stream.linear.gather [hbm4b:s5+s16], $0x40, $0x38;
	[tilespmem:$0x1EF88] =	vst v63  }
0x6b: {  	s9 =	sadd.s32 s6, s7;
	s12 =	sadd.s32 s6, s10;
	s14 =	spop (v2sf)  }
0x6c: {  	[tilespmem:s3], [sflag:$0x9] =	stream.linear.gather [hbm4b:s9+s16], $0x40, $0x38;
	[tilespmem:$0x1EF88] =	vst v63  }
0x6d: {  	s13 =	sand.u32 $0x1FFFFFF0, s11;
	s26 =	sand.u32 $0x1FFFFFF0, s14;
	s29 =	spop (v2sf)  }
0x6e: {  	[tilespmem:s0], [sflag:$0x9] =	stream.linear.gather [hbm4b:s12+s16], $0x40, $0x38;
	[tilespmem:$0x1EF88] =	vst v63  }
0x6f: {  	s25 =	sadd.s32 s6, s13;
	s30 =	sadd.s32 s6, s26;
	s0 =	sand.u32 $0x1FFFFFF0, s29  }
0x70: {  	[tilespmem:s19], [sflag:$0x9] =	stream.linear.gather [hbm4b:s25+s16], $0x40, $0x38;
	[tilespmem:$0x1EF88] =	vst v63  }
0x71: {  	s26 =	sadd.s32 $0x800, s24;
	s0 =	sadd.s32 s6, s0;
	s25 =	simm.s32 $0x0  }
0x72: {  	[tilespmem:s31], [sflag:$0x9] =	stream.linear.gather [hbm4b:s30+s16], $0x40, $0x38;
	[tilespmem:$0x1EF88] =	vst v63  }
.LBB2_5:
0x73: {  	[tilespmem:s24], [sflag:$0x9] =	stream.linear.gather [hbm4b:s0+s16], $0x40, $0x38;
	[tilespmem:$0x1EF88] =	vst v63  }
0x74: {  	s25 =	sadd.s32 $0x10, s25;
	s24 =	smov.u32 s26  }
0x75: {  	p2 =	slt.u32 s25, $0x130;
	v1 =	vld.msk [tilespmem:s28+$0x0], $0xffff;
	_ =	sdelay $0x4  }
0x76: {  	v1 =	vshll.u32 v1, $0x4  }
0x77: {  	(v2sf) =	vpush v1, $0x0  }
0x78: {  	(v2sf) =	vpush v1, $0x1  }
0x79: {  	(v2sf) =	vpush v1, $0x2;
	_ =	sdelay $0x1  }
0x7a: {  	(v2sf) =	vpush v1, $0x3;
	_ =	sdelay $0x1  }
0x7b: {  	(v2sf) =	vpush v1, $0x4;
	_ =	sdelay $0x1  }
0x7c: {  	(v2sf) =	vpush v1, $0x5;
	_ =	sdelay $0x1  }
0x7d: {  	(v2sf) =	vpush v1, $0x6  }
0x7e: {  	s30 =	sadd.s32 $0xFFFFFE80, s26;
	s29 =	sadd.s32 $0xFFFFFF00, s26  }
0x7f: {  	s4 =	sadd.s32 $0xFFFFFD00, s26;
	s0 =	sadd.s32 $0xFFFFFD80, s26;
	s31 =	sadd.s32 $0xFFFFFE00, s26;
	(v2sf) =	vpush v1, $0x7  }
0x80: {  	s2 =	sadd.s32 $0xFFFFFB80, s26;
	s3 =	sadd.s32 $0xFFFFFC00, s26;
	s5 =	sadd.s32 $0xFFFFFC80, s26  }
0x81: {  	s7 =	sadd.s32 $0xFFFFFA00, s26;
	s8 =	sadd.s32 $0xFFFFFA80, s26;
	s10 =	sadd.s32 $0xFFFFFB00, s26;
	(v2sf) =	vpush v1, $0x8  }
0x82: {  	s11 =	sadd.s32 $0xFFFFF900, s26;
	s13 =	sadd.s32 $0xFFFFF980, s26;
	s14 =	spop (v2sf)  }
0x83: {  	s9 =	sadd.s32 $0xFFFFF880, s26;
	s14 =	sand.u32 $0x1FFFFFF0, s14;
	s19 =	spop (v2sf);
	(v2sf) =	vpush v1, $0x9  }
0x84: {  	s14 =	sadd.s32 s6, s14;
	s19 =	sand.u32 $0x1FFFFFF0, s19;
	s12 =	spop (v2sf)  }
0x85: {  	[tilespmem:s9], [sflag:$0x9] =	stream.linear.gather [hbm4b:s14+s16], $0x40, $0x38;
	(v2sf) =	vpush v1, $0xA;
	[tilespmem:$0x1EF88] =	vst v63  }
0x86: {  	s9 =	sadd.s32 s6, s19;
	s12 =	sand.u32 $0x1FFFFFF0, s12;
	s14 =	spop (v2sf)  }
0x87: {  	[tilespmem:s11], [sflag:$0x9] =	stream.linear.gather [hbm4b:s9+s16], $0x40, $0x38;
	(v2sf) =	vpush v1, $0xB;
	[tilespmem:$0x1EF88] =	vst v63  }
0x88: {  	s9 =	sadd.s32 s6, s12;
	s11 =	sand.u32 $0x1FFFFFF0, s14;
	s12 =	spop (v2sf)  }
0x89: {  	[tilespmem:s13], [sflag:$0x9] =	stream.linear.gather [hbm4b:s9+s16], $0x40, $0x38;
	(v2sf) =	vpush v1, $0xC;
	[tilespmem:$0x1EF88] =	vst v63  }
0x8a: {  	s9 =	sadd.s32 s6, s11;
	s11 =	sand.u32 $0x1FFFFFF0, s12;
	s12 =	spop (v2sf)  }
0x8b: {  	[tilespmem:s7], [sflag:$0x9] =	stream.linear.gather [hbm4b:s9+s16], $0x40, $0x38;
	(v2sf) =	vpush v1, $0xD;
	[tilespmem:$0x1EF88] =	vst v63  }
0x8c: {  	s7 =	sadd.s32 s6, s11;
	s9 =	sand.u32 $0x1FFFFFF0, s12;
	s11 =	spop (v2sf)  }
0x8d: {  	[tilespmem:s8], [sflag:$0x9] =	stream.linear.gather [hbm4b:s7+s16], $0x40, $0x38;
	(v2sf) =	vpush v1, $0xE;
	[tilespmem:$0x1EF88] =	vst v63  }
0x8e: {  	s7 =	sadd.s32 s6, s9;
	s8 =	sand.u32 $0x1FFFFFF0, s11;
	s9 =	spop (v2sf)  }
0x8f: {  	[tilespmem:s10], [sflag:$0x9] =	stream.linear.gather [hbm4b:s7+s16], $0x40, $0x38;
	(v2sf) =	vpush v1, $0xF;
	[tilespmem:$0x1EF88] =	vst v63  }
0x90: {  	s7 =	sadd.s32 s6, s8;
	s8 =	sand.u32 $0x1FFFFFF0, s9;
	s9 =	spop (v2sf)  }
0x91: {  	[tilespmem:s2], [sflag:$0x9] =	stream.linear.gather [hbm4b:s7+s16], $0x40, $0x38;
	[tilespmem:$0x1EF88] =	vst v63  }
0x92: {  	s2 =	sadd.s32 s6, s8;
	s7 =	sand.u32 $0x1FFFFFF0, s9;
	s8 =	spop (v2sf)  }
0x93: {  	[tilespmem:s3], [sflag:$0x9] =	stream.linear.gather [hbm4b:s2+s16], $0x40, $0x38;
	[tilespmem:$0x1EF88] =	vst v63  }
0x94: {  	s2 =	sadd.s32 s6, s7;
	s3 =	sand.u32 $0x1FFFFFF0, s8;
	s7 =	spop (v2sf)  }
0x95: {  	[tilespmem:s5], [sflag:$0x9] =	stream.linear.gather [hbm4b:s2+s16], $0x40, $0x38;
	[tilespmem:$0x1EF88] =	vst v63  }
0x96: {  	s2 =	sadd.s32 s6, s3;
	s3 =	sand.u32 $0x1FFFFFF0, s7;
	s5 =	spop (v2sf)  }
0x97: {  	[tilespmem:s4], [sflag:$0x9] =	stream.linear.gather [hbm4b:s2+s16], $0x40, $0x38;
	[tilespmem:$0x1EF88] =	vst v63  }
0x98: {  	s2 =	sadd.s32 s6, s3;
	s3 =	sand.u32 $0x1FFFFFF0, s5;
	s4 =	spop (v2sf)  }
0x99: {  	[tilespmem:s0], [sflag:$0x9] =	stream.linear.gather [hbm4b:s2+s16], $0x40, $0x38;
	[tilespmem:$0x1EF88] =	vst v63  }
0x9a: {  	s0 =	sadd.s32 s6, s3;
	s2 =	sand.u32 $0x1FFFFFF0, s4;
	s3 =	spop (v2sf)  }
0x9b: {  	[tilespmem:s31], [sflag:$0x9] =	stream.linear.gather [hbm4b:s0+s16], $0x40, $0x38;
	[tilespmem:$0x1EF88] =	vst v63  }
0x9c: {  	s0 =	sadd.s32 s6, s2;
	s2 =	sand.u32 $0x1FFFFFF0, s3;
	s3 =	spop (v2sf)  }
0x9d: {  	[tilespmem:s30], [sflag:$0x9] =	stream.linear.gather [hbm4b:s0+s16], $0x40, $0x38;
	[tilespmem:$0x1EF88] =	vst v63  }
0x9e: {  	s0 =	sadd.s32 s6, s2  }
.Ltmp4:
0x9f: {  	s2 =	sand.u32 $0x1FFFFFF0, s3;
	s3 =	spop (v2sf);
	(pc) =	sbr.rel @p2 .LBB2_5-.Ltmp4, $4  }
0xa0: {  	[tilespmem:s29], [sflag:$0x9] =	stream.linear.gather [hbm4b:s0+s16], $0x40, $0x38;
	[tilespmem:$0x1EF88] =	vst v63  }
0xa1: {  	s0 =	sadd.s32 s6, s2;
	s2 =	sadd.s32 $0xFFFFFF80, s26;
	s3 =	sand.u32 $0x1FFFFFF0, s3  }
0xa2: {  	[tilespmem:s2], [sflag:$0x9] =	stream.linear.gather [hbm4b:s0+s16], $0x40, $0x38;
	[tilespmem:$0x1EF88] =	vst v63  }
0xa3: {  	s28 =	sadd.s32 $0x10, s28;
	s26 =	sadd.s32 $0x800, s26;
	s0 =	sadd.s32 s6, s3  }
0xa4: {  	[tilespmem:s24], [sflag:$0x9] =	stream.linear.gather [hbm4b:s0+s16], $0x40, $0x38;
	[tilespmem:$0x1EF88] =	vst v63  }
0xa5: {  	s9 =	rddreg [dreg:$0x5]  }
0xa6: {  	s10 =	rddreg [dreg:$0x6]  }
0xa7: {  	s11 =	rddreg [dreg:$0x7];
	s12 =	simm.s32 $0xC  }
.LBB2_7:
0xa8: {  	p2 =	slt.u32 s20, $0x2  }
.Ltmp5:
0xa9: {  	_ = 	snop;
	(pc) =	sbr.rel @p2 .LBB2_25-.Ltmp5, $1  }
0xaa: {  	_ =	sdelay $0x3  }
0xab: {  	p2 =	sgt.s32 s23, $0x27EC0;
	s0 =	smov.u32 s23;
	s2 =	sshra.s32 s23, $0x1F  }
0xac: {  	s0 =	simm.s32 @!p2 $0x27EC0;
	s2 =	sand.u32 s2, s23  }
0xad: {  	s0 =	ssub.s32 s0, s2  }
0xae: {  	s0 =	sadd.s32 $0xFFFD8140, s0  }
0xaf: {  	s3 =	simm.s32 $0x9;
	s30 =	sshll.u32 s0, $0x2  }
0xb0: {  	_ =	swait.ge [sflag:s3], $0x5000;
	s2 =	ssub.s32 $0x500, s30  }
0xb1: {  	[sflag:s3] =	ssyncset.done $0x0;
	p2 =	sgt.s32 s0, $0x13F;
	s0 =	sshrl.u32 s2, $0x2  }
0xb2: {  	s31 =	simm.s32 $0xB;
	[sflag:s3] =	ssyncadd.s32 $0xFFFFB000;
	s0 =	simm.s32 @p2 $0x0  }
0xb3: {  	_ =	swait.ge [sflag:s31], s0  }
0xb4: {  	s0 =	ssub.s32 $0x0, s0;
	[sflag:s31] =	ssyncset.done $0x0  }
0xb5: {  	[sflag:s31] =	ssyncadd.s32 s0  }
0xb6: {  	v1 =	vld [tilespmem:$0xA108];
	_ =	sdelay $0x4  }
0xb7: {  	(v2sf) =	vpush v1, $0x0  }
0xb8: {  	(v2sf) =	vpush v1, $0x1  }
0xb9: {  	(v2sf) =	vpush v1, $0x2;
	_ =	sdelay $0x3  }
0xba: {  	s2 =	sadd.s32 $0x140, s23  }
0xbb: {  	s3 =	ssub.s32 $0x50000, s23;
	p2 =	slt.s32 s10, s2  }
0xbc: {  	s2 =	smov.u32 @p2 s10;
	p2 =	sgt.s32 s3, $0x0  }
0xbd: {  	s24 =	ssub.s32 s2, s23;
	s3 =	simm.s32 @!p2 $0x0  }
0xbe: {  	p2 =	slt.s32 s3, s24  }
0xbf: {  	s24 =	smov.u32 @p2 s3  }
0xc0: {  	s0 =	simm.s32 $0x1;
	p2 =	slt.s32 s24, $0x1  }
.Ltmp6:
0xc1: {  	s0 =	simm.s32 @!p1 $0x0;
	(pc) =	sbr.rel @p2 .LBB2_12-.Ltmp6, $4  }
0xc2: {  	s4 =	smul.u32 $0x500, s0  }
0xc3: {  	s2 =	spop (v2sf)  }
0xc4: {  	s4 =	sshrl.u32 s4, $0x2;
	s3 =	spop (v2sf)  }
0xc5: {  	s25 =	sadd.s32 $0xAD08, s4;
	s23 =	spop (v2sf)  }
0xc6: {  	s4 =	smin.u32 s24, $0x10  }
0xc7: {  	v1 =	vmov s4  }
0xc8: {  	p3 =	sgt.s32 s24, $0x10;
	vm1 =	vgt.u32 v1, v0  }
.Ltmp7:
0xc9: {  	_ = 	snop;
	(pc) =	sbr.rel @!p3 .LBB2_11-.Ltmp7, $2  }
0xca: {  	_ =	sdelay $0x2  }
0xcb: {  	s5 =	simm.s32 $0x10;
	s26 =	sadd.s32 $0xFFFFFFF0, s24;
	s4 =	smov.u32 s25;
	vm0 =	vmmov vm1  }
.LBB2_10:
0xcc: {  	s7 =	smin.u32 s26, $0x10;
	s5 =	sadd.s32 $0x10, s5;
	v1 =	vld.msk [tilespmem:s4+$0x0 ss:$0x1], vm1  }
0xcd: {  	v2 =	vmov s7;
	p3 =	slt.s32 s5, s24  }
0xce: {  	vm1 =	vgt.u32 v2, v0  }
.Ltmp8:
0xcf: {  	(pc) =	sbr.rel @p3 .LBB2_10-.Ltmp8, $3  }
0xd0: {  	_ =	sdelay $0x1  }
0xd1: {  	v1 =	vshll.u32 v1, $0x4  }
0xd2: {  	s26 =	sadd.s32 $0xFFFFFFF0, s26;
	[tilespmem:s4+$0x0] =	vst.msk vm0, v1;
	s4 =	sadd.s32 $0x10, s4;
	vm0 =	vmmov vm1  }
.LBB2_11:
0xd3: {  	_ =	sdelay $0x4  }
0xd4: {  	v1 =	vld.msk [tilespmem:s4+$0x0 ss:$0x1], vm1;
	_ =	sdelay $0x4  }
0xd5: {  	v1 =	vshll.u32 v1, $0x4  }
0xd6: {  	[tilespmem:s4+$0x0] =	vst.msk vm0, v1  }
.LBB2_12:
0xd7: {  	s4 =	sand.u32 $0x1, s20  }
0xd8: {  	s4 =	smul.u32 $0x140, s4  }
0xd9: {  	p3 =	sne.s32 s3, $0xFFFFFFFF  }
0xda: {  	v1 =	vld.msk @!p3 [tilespmem:s4+$0xAD08], $0x1;
	_ =	sdelay $0x4  }
0xdb: {  	(v2sf) =	vpush @!p3 v1, $0x0;
	_ =	sdelay $0xc  }
.Ltmp9:
0xdc: {  	_ = 	snop;
	(pc) =	sbr.rel @p2 .LBB2_23-.Ltmp9, $4  }
0xdd: {  	_ = 	snop  }
0xde: {  	s30 =	spop @!p3 (v2sf)  }
0xdf: {  	s23 =	simm.s32 @!p3 $0x0;
	s26 =	smov.u32 s30  }
0xe0: {  	[sflag:s12] =	ssyncpa.u1 $0x0;
	s30 =	smov.u32 @p3 s2;
	s26 =	smov.u32 @p3 s3  }
0xe1: {  	v1 =	vld.msk [tilespmem:s25+$0x0], $0x1;
	_ =	sdelay $0x4  }
0xe2: {  	(v2sf) =	vpush v1, $0x0;
	_ =	sdelay $0xe  }
0xe3: {  	s0 =	smul.u32 $0x28000, s0;
	s3 =	spop (v2sf)  }
0xe4: {  	p2 =	seq.s32 s30, s3  }
0xe5: {  	s2 =	smov.u32 s30;
	s0 =	sshrl.u32 s0, $0x2;
	p3 =	sgt.s32 @!p2 s30, $0x0  }
0xe6: {  	s28 =	sadd.s32 $0xAFA8, s0;
	s0 =	sadd.s32 $0xFFFFFFFF, s24;
	p3 =	por !p3, p2  }
0xe7: {  	s2 =	simm.s32 @p3 $0x0;
	p3 =	sne.s32 s0, $0x0  }
.Ltmp10:
0xe8: {  	_ = 	snop;
	(pc) =	sbr.rel @!p3 .LBB2_15-.Ltmp10, $4  }
0xe9: {  	_ = 	snop  }
0xea: {  	s29 =	simm.s32 $0x0;
	s4 =	simm.s32 @!p2 $0x1;
	s2 =	smin.u32 @!p2 s2, $0x270F8  }
0xeb: {  	s5 =	simm.s32 @!p2 $0x50C8;
	s4 =	smov.u32 @p2 s29;
	s7 =	sand.u32 @!p2 $0x3FFF8, s2  }
0xec: {  	s31 =	sand.u32 @!p2 $0x7, s2;
	s2 =	sadd.s32 $0x1, s25;
	s14 =	sadd.s32 @!p2 s1, s7  }
.LBB2_14:
0xed: {  	s7 =	smov.u32 s4  }
0xee: {  	[tilespmem:s5], [sflag:$0x2] =	stream.linear.gather @!p2 [hbm4b:s14+s31], $0x40, $0x38;
	[tilespmem:$0x1EF88] =	vst v63  }
0xef: {  	s0 =	sadd.s32 $0xFFFFFFFF, s0;
	s8 =	smov.u32 s3;
	v1 =	vld.msk [tilespmem:s2+$0x0], $0x1  }
0xf0: {  	p3 =	sne.s32 s0, $0x0;
	_ =	sdelay $0x3  }
0xf1: {  	(v2sf) =	vpush v1, $0x0;
	_ =	sdelay $0xe  }
0xf2: {  	s3 =	spop (v2sf)  }
0xf3: {  	p2 =	seq.s32 s8, s3  }
0xf4: {  	p4 =	sgt.s32 @!p2 s8, $0x0;
	s5 =	sshll.u32 @!p2 s4, $0x8;
	s4 =	sadd.s32 @!p2 $0x1, s4  }
.Ltmp11:
0xf5: {  	p4 =	por !p4, p2;
	s5 =	sshra.s32 @!p2 s5, $0x2;
	(pc) =	sbr.rel @p3 .LBB2_14-.Ltmp11, $4  }
0xf6: {  	s4 =	smov.u32 @p2 s7;
	s8 =	simm.s32 @p4 $0x0;
	s5 =	sadd.s32 @!p2 $0x50C8, s5  }
0xf7: {  	s7 =	smin.u32 @!p2 s8, $0x270F8  }
0xf8: {  	s8 =	sand.u32 @!p2 $0x3FFF8, s7;
	s31 =	sand.u32 @!p2 $0x7, s7  }
0xf9: {  	s2 =	sadd.s32 $0x1, s2;
	s14 =	sadd.s32 @!p2 s1, s8  }
.LBB2_15:
0xfa: {  	[tilespmem:s5], [sflag:$0x2] =	stream.linear.gather @!p2 [hbm4b:s14+s31], $0x40, $0x38;
	[tilespmem:$0x1EF88] =	vst v63  }
.Ltmp12:
0xfb: {  	s0 =	sshll.u32 s4, $0x6;
	(pc) =	sbr.rel .LBB2_16-.Ltmp12, $4  }
0xfc: {  	s2 =	simm.s32 $0x2;
	s0 =	sand.u32 $0x3FFFFFC0, s0  }
0xfd: {  	_ =	swait.ge [sflag:s2], s0  }
0xfe: {  	s0 =	ssub.s32 $0x0, s0;
	[sflag:s2] =	ssyncset.done $0x0  }
0xff: {  	s4 =	simm.s32 $0x0;
	[sflag:s2] =	ssyncadd.s32 s0  }
.LBB2_17:
0x100: {  	v1 =	vld [tilespmem:s28+$0xFFFFFFE0];
	_ =	sdelay $0x4  }
0x101: {  	[tilespmem:s2+$0x88] =	vst.add.f32.msk $0xffff, v1  }
0x102: {  	v1 =	vld [tilespmem:s28+$0xFFFFFFF0];
	_ =	sdelay $0x4  }
0x103: {  	[tilespmem:s2+$0x98] =	vst.add.f32.msk $0xffff, v1  }
0x104: {  	v1 =	vld [tilespmem:s28+$0x0];
	_ =	sdelay $0x4  }
0x105: {  	[tilespmem:s2+$0xA8] =	vst.add.f32.msk $0xffff, v1  }
0x106: {  	v1 =	vld [tilespmem:s28+$0x10];
	_ =	sdelay $0x4  }
0x107: {  	[tilespmem:s2+$0xB8] =	vst.add.f32.msk $0xffff, v1  }
.LBB2_21:
0x108: {  	s24 =	sadd.s32 $0xFFFFFFFF, s24  }
0x109: {  	p2 =	sne.s32 s24, $0x0  }
.Ltmp13:
0x10a: {  	_ = 	snop;
	(pc) =	sbr.rel @!p2 .LBB2_22-.Ltmp13, $2  }
0x10b: {  	_ =	sdelay $0x2  }
0x10c: {  	s28 =	sadd.s32 $0x80, s28;
	s25 =	sadd.s32 $0x1, s25;
	s30 =	smov.u32 s0  }
.LBB2_16:
0x10d: {  	v1 =	vld.msk [tilespmem:s25+$0x0], $0x1;
	_ =	sdelay $0x4  }
0x10e: {  	(v2sf) =	vpush v1, $0x0;
	_ =	sdelay $0xe  }
0x10f: {  	s0 =	spop (v2sf)  }
0x110: {  	p2 =	sne.s32 s30, s0  }
.Ltmp14:
0x111: {  	_ = 	snop;
	(pc) =	sbr.rel @!p2 .LBB2_17-.Ltmp14, $3  }
0x112: {  	_ =	sdelay $0x1  }
0x113: {  	s2 =	sshll.u32 s23, $0x8  }
0x114: {  	s2 =	sshra.s32 s2, $0x2  }
0x115: {  	p2 =	seq.s32 s30, s26  }
.Ltmp15:
0x116: {  	_ = 	snop;
	(pc) =	sbr.rel @!p2 .LBB2_19-.Ltmp15, $1  }
0x117: {  	_ =	sdelay $0x3  }
.Ltmp16:
0x118: {  	s2 =	sadd.s32 $0x88, s2;
	(pc) =	sbr.rel .LBB2_20-.Ltmp16, $4  }
0x119: {  	[spmem:s15] =	stream.linear.scatter [tilespmem:s2], [sflag:$0x1], $0x40, $0x38;
	[tilespmem:$0x1EF88] =	vst v63  }
0x11a: {  	_ =	swait.ge [sflag:s18], $0x40  }
0x11b: {  	[sflag:s18] =	ssyncset.done $0x0  }
0x11c: {  	[sflag:s18] =	ssyncadd.s32 $0xFFFFFFC0  }
.LBB2_19:
0x11d: {  	s3 =	sshll.u32 s29, $0x8  }
0x11e: {  	s3 =	sshra.s32 s3, $0x2  }
0x11f: {  	v1 =	vld [tilespmem:s3+$0x50C8];
	_ =	sdelay $0x4  }
0x120: {  	[tilespmem:s2+$0x88] =	vst.add.f32.msk $0xffff, v1  }
0x121: {  	v1 =	vld [tilespmem:s3+$0x50D8];
	_ =	sdelay $0x4  }
0x122: {  	[tilespmem:s2+$0x98] =	vst.add.f32.msk $0xffff, v1  }
0x123: {  	v1 =	vld [tilespmem:s3+$0x50E8];
	_ =	sdelay $0x4  }
0x124: {  	[tilespmem:s2+$0xA8] =	vst.add.f32.msk $0xffff, v1  }
0x125: {  	v1 =	vld [tilespmem:s3+$0x50F8];
	_ =	sdelay $0x2  }
0x126: {  	p2 =	sgt.u32 s30, $0x270F8  }
0x127: {  	s3 =	sand.u32 @!p2 $0x3FFF8, s30  }
0x128: {  	s5 =	sadd.s32 $0x88, s2;
	[tilespmem:s2+$0xB8] =	vst.add.f32.msk $0xffff, v1;
	s2 =	sadd.s32 @!p2 s1, s3;
	s3 =	sand.u32 @!p2 $0x7, s30  }
0x129: {  	[hbm4b:s2+s3] =	stream.linear.scatter @!p2 [tilespmem:s5], [sflag:$0xC], $0x40, $0x38;
	[tilespmem:$0x1EF88] =	vst v63  }
0x12a: {  	s2 =	simm.s32 $0x0  }
0x12b: {  	s2 =	simm.s32 @!p2 $0x100  }
0x12c: {  	s4 =	sadd.s32 s2, s4  }
.LBB2_20:
0x12d: {  	s2 =	sadd.s32 $0x1, s23  }
0x12e: {  	s3 =	smulhi.u32 $0xCCCCCCCD, s2;
	_ =	sdelay $0x1  }
0x12f: {  	v1 =	vld [tilespmem:s28+$0xFFFFFFE0];
	s3 =	sshrl.u32 s3, $0x8  }
0x130: {  	s3 =	smul.u32 $0x140, s3;
	_ =	sdelay $0x1  }
0x131: {  	s23 =	ssub.s32 s2, s3  }
0x132: {  	s2 =	sshll.u32 s23, $0x6  }
0x133: {  	[tilespmem:s2+$0x88] =	vst v1  }
0x134: {  	v1 =	vld [tilespmem:s28+$0xFFFFFFF0];
	_ =	sdelay $0x4  }
0x135: {  	[tilespmem:s2+$0x98] =	vst v1  }
0x136: {  	v1 =	vld [tilespmem:s28+$0x0];
	_ =	sdelay $0x4  }
0x137: {  	[tilespmem:s2+$0xA8] =	vst v1  }
0x138: {  	v1 =	vld [tilespmem:s28+$0x10]  }
.Ltmp17:
0x139: {  	_ = 	snop;
	(pc) =	sbr.rel .LBB2_21-.Ltmp17, $2  }
0x13a: {  	_ =	sdelay $0x2  }
0x13b: {  	s29 =	sadd.s32 $0x1, s29;
	[tilespmem:s2+$0xB8] =	vst v1  }
.LBB2_23:
.Ltmp18:
0x13c: {  	(pc) =	sbr.rel .LBB2_24-.Ltmp18, $4  }
0x13d: {  	_ = 	snop  }
0x13e: {  	s0 =	simm.s32 $0x2  }
0x13f: {  	_ =	swait.ge [sflag:s0], $0x0  }
0x140: {  	s2 =	simm.s32 $0x0;
	[sflag:s0] =	ssyncset.done $0x0;
	s0 =	smov.u32 s30  }
.LBB2_26:
0x141: {  	_ =	sfence.sel $0x180000  }
0x142: {  	s0 =	simm.s32 $0x9;
	[bflag:$0x0] =	sbarrier.arrive $0xFFFF  }
0x143: {  	s24 =	simm.s32 $0xA;
	[sflag:s0] =	ssyncpa.u1 $0x1  }
0x144: {  	s25 =	simm.s32 $0xB;
	[sflag:s24] =	ssyncpa.u1 $0x1  }
0x145: {  	s26 =	simm.s32 $0x2;
	[sflag:s25] =	ssyncpa.u1 $0x1  }
0x146: {  	[sflag:s26] =	ssyncpa.u1 $0x1  }
0x147: {  	v0 =	vld [tilespmem:$0xA108];
	_ =	sdelay $0x4  }
0x148: {  	(v2sf) =	vpush v0, $0x0  }
0x149: {  	(v2sf) =	vpush v0, $0x1;
	_ =	sdelay $0x1  }
0x14a: {  	(v2sf) =	vpush v0, $0x2;
	_ =	sdelay $0xb  }
0x14b: {  	s0 =	spop (v2sf)  }
0x14c: {  	s2 =	spop (v2sf)  }
0x14d: {  	s3 =	smov.u32 s0;
	p0 =	sne.s32 s0, s2  }
0x14e: {  	s4 =	spop (v2sf);
	s3 =	simm.s32 @!p0 $0xFFFFFFFF  }
0x14f: {  	v2 =	vimm.s32 $0x1;
	v3 =	vlaneseq.u32;
	p0 =	seq.s32 s4, $0xFFFFFFFF;
	v1 =	vmov s3  }
0x150: {  	s14 =	stileid.u32;
	v0 =	vperm.xlane v0, v2;
	p1 =	sne.s32 @!p0 s0, s2;
	v1 =	vperm.xlane v1, v3  }
0x151: {  	vm0 =	vcmask $0x3F04;
	s6 =	simm.s32 $0xA108;
	s0 =	simm.s32 @!p0 $0x1;
	p1 =	por !p1, p0  }
0x152: {  	s3 =	sshll.u32 s14, $0x1;
	s2 =	sshll.u32 @!p0 s4, $0x8;
	s0 =	simm.s32 @p1 $0x0;
	v0 =	vsel vm0, v1, v0  }
0x153: {  	s5 =	sor.u32 $0x800, s3;
	s2 =	sshra.s32 @!p0 s2, $0x2;
	s0 =	sor.u32 @!p0 s0, s3;
	[tilespmem:$0xA108] =	vst v0  }
0x154: {  	[spmem:s5] =	stream.linear.scatter [tilespmem:s6], [sflag:$0x1], $0x2, $0x38;
	[tilespmem:$0x1EF88] =	vst v63  }
0x155: {  	s2 =	sadd.s32 @!p0 $0x88, s2;
	s0 =	sshll.u32 @!p0 s0, $0x6  }
0x156: {  	[spmem:s0] =	stream.linear.scatter @!p0 [tilespmem:s2], [sflag:$0x1], $0x40, $0x38;
	[tilespmem:$0x1EF88] =	vst v63  }
0x157: {  	s0 =	simm.s32 @!p0 $0x42  }
0x158: {  	s28 =	simm.s32 $0x1;
	s0 =	simm.s32 @p0 $0x2  }
0x159: {  	_ =	swait.ge [sflag:s28], s0  }
0x15a: {  	s0 =	ssub.s32 $0x0, s0;
	[sflag:s28] =	ssyncset.done $0x0  }
0x15b: {  	p0 =	sne.s32 s14, $0x0;
	[sflag:s28] =	ssyncadd.s32 s0  }
.Ltmp19:
0x15c: {  	_ =	sfence.stream.spmem;
	(pc) =	sbr.rel @p0 .LBB2_43-.Ltmp19, $4  }
0x15d: {  	s29 =	simm.s32 $0x3;
	[bflag:$0x0] =	sbarrier.arrive $0xFFFF  }
0x15e: {  	s30 =	simm.s32 $0x4;
	[sflag:s29] =	ssyncpa.u1 $0x1  }
0x15f: {  	s31 =	simm.s32 $0x3C;
	[sflag:s30] =	ssyncpa.u1 $0x1  }
0x160: {  	s13 =	rddreg [dreg:$0x4];
	[sflag:s31] =	ssyncpa.u1 $0x1  }
0x161: {  	_ =	sfence.stream.spmem;
	s0 =	simm.s32 $0x5  }
0x162: {  	s2 =	simm.s32 $0x800;
	s3 =	simm.s32 $0xA118;
	[sflag:s0] =	ssyncpa.u1 $0x0  }
0x163: {  	[tilespmem:s3], [sflag:$0x5] =	stream.linear.gather [spmem:s2], $0x20, $0x38;
	[tilespmem:$0x1EF88] =	vst v63  }
0x164: {  	s26 =	simm.s32 $0x0;
	s28 =	simm.s32 $0xA138  }
0x165: {  	[tilespmem:s28], [sflag:$0x5] =	stream.linear.gather [spmem:s26], $0x800, $0x38;
	[tilespmem:$0x1EF88] =	vst v63  }
0x166: {  	_ =	swait.ge [sflag:s0], $0x820  }
0x167: {  	[sflag:s0] =	ssyncset.done $0x0  }
0x168: {  	s29 =	simm.s32 $0x0;
	[sflag:s0] =	ssyncadd.s32 $0xFFFFF7E0  }
0x169: {  	v0 =	vld.msk [tilespmem:s29+$0xA118], $0x1;
	_ =	sdelay $0x1  }
0x16a: {  	s30 =	simm.s32 $0x1  }
0x16b: {  	v1 =	vld.msk [tilespmem:s30+$0xA118], $0x1;
	_ =	sdelay $0x1  }
0x16c: {  	(v2sf) =	vpush v0, $0x0;
	_ =	sdelay $0x2  }
0x16d: {  	(v2sf) =	vpush v1, $0x0;
	_ =	sdelay $0x2  }
0x16e: {  	s31 =	simm.s32 $0x2  }
0x16f: {  	v0 =	vld.msk [tilespmem:s31+$0xA118], $0x1;
	_ =	sdelay $0x2  }
0x170: {  	s2 =	simm.s32 $0xFFFFFFFF;
	s3 =	simm.s32 $0xFFFFFFFF;
	s0 =	simm.s32 $0xC  }
.LBB2_28:
0x171: {  	s4 =	smov.u32 s3;
	s5 =	smov.u32 s2  }
0x172: {  	s2 =	sshra.s32 s0, $0x2;
	p1 =	sne.s32 s0, $0x7C;
	s0 =	sadd.s32 $0x4, s0;
	(v2sf) =	vpush v0, $0x0  }
0x173: {  	v0 =	vld.msk [tilespmem:s2+$0xA118], $0x1  }
.Ltmp20:
0x174: {  	(pc) =	sbr.rel @p1 .LBB2_28-.Ltmp20, $4  }
0x175: {  	s3 =	spop (v2sf)  }
0x176: {  	p2 =	sne.s32 s5, $0xFFFFFFFF;
	s2 =	smov.u32 s3  }
0x177: {  	p3 =	seq.s32 s3, $0xFFFFFFFF;
	s2 =	smov.u32 @p2 s5  }
0x178: {  	s3 =	smov.u32 @p3 s4;
	s2 =	smov.u32 @p3 s5  }
0x179: {  	(v2sf) =	vpush v0, $0x0;
	_ =	sdelay $0x8  }
0x17a: {  	s0 =	spop (v2sf)  }
0x17b: {  	p1 =	sne.s32 s2, $0xFFFFFFFF;
	s4 =	smov.u32 s0  }
0x17c: {  	s9 =	simm.s32 $0x6;
	p2 =	seq.s32 s0, $0xFFFFFFFF;
	s4 =	smov.u32 @p1 s2  }
0x17d: {  	s6 =	simm.s32 $0x0;
	s4 =	smov.u32 @p2 s2;
	s2 =	spop (v2sf)  }
0x17e: {  	s0 =	smov.u32 @p2 s3;
	p1 =	sne.s32 s4, $0xFFFFFFFF;
	s5 =	smov.u32 s2  }
.Ltmp21:
0x17f: {  	p2 =	seq.s32 s2, $0xFFFFFFFF;
	s5 =	smov.u32 @p1 s4;
	(pc) =	sbr.rel .LBB2_30-.Ltmp21, $4  }
0x180: {  	s10 =	simm.s32 $0xA0C8;
	s5 =	smov.u32 @p2 s4;
	s7 =	spop (v2sf)  }
0x181: {  	s11 =	simm.s32 $0x0;
	p1 =	sne.s32 s5, $0xFFFFFFFF;
	s8 =	smov.u32 s7  }
0x182: {  	s2 =	smov.u32 @p2 s0;
	p2 =	seq.s32 s7, $0xFFFFFFFF;
	s8 =	smov.u32 @p1 s5  }
0x183: {  	[sflag:s9] =	ssyncpa.u1 $0x0;
	s7 =	smov.u32 @p2 s2;
	s8 =	smov.u32 @p2 s5  }
.LBB2_36:
0x184: {  	p1 =	sgt.u32 s0, $0x270F8  }
0x185: {  	p2 =	seq.s32 @!p1 s0, s8  }
0x186: {  	p1 =	por p1, p2  }
0x187: {  	p2 =	sne.s32 @!p1 s0, s7  }
0x188: {  	p1 =	por p1, !p2  }
0x189: {  	s0 =	sshll.u32 @p1 s11, $0x8  }
0x18a: {  	s2 =	sand.u32 @!p1 $0x3FFF8, s0  }
0x18b: {  	s0 =	sand.u32 @!p1 $0x7, s0;
	s2 =	sadd.s32 @!p1 s1, s2  }
0x18c: {  	[tilespmem:s10], [sflag:$0x6] =	stream.linear.gather @!p1 [hbm4b:s2+s0], $0x40, $0x38;
	[tilespmem:$0x1EF88] =	vst v63  }
0x18d: {  	_ =	swait.ge @!p1 [sflag:s9], $0x40  }
0x18e: {  	[sflag:s9] =	ssyncset.done @!p1 $0x0  }
0x18f: {  	[sflag:s9] =	ssyncadd.s32 @!p1 $0xFFFFFFC0  }
0x190: {  	v1 =	vld @!p1 [tilespmem:$0xA0C8];
	_ =	sdelay $0x2  }
0x191: {  	s0 =	sshll.u32 @!p1 s11, $0x8  }
0x192: {  	s2 =	sshrl.u32 @!p1 s0, $0x2  }
0x193: {  	[tilespmem:s2+$0xA138] =	vst.add.f32.msk @!p1 $0xffff, v1  }
0x194: {  	v1 =	vld @!p1 [tilespmem:$0xA0D8];
	_ =	sdelay $0x4  }
0x195: {  	[tilespmem:s2+$0xA148] =	vst.add.f32.msk @!p1 $0xffff, v1  }
0x196: {  	v1 =	vld @!p1 [tilespmem:$0xA0E8];
	_ =	sdelay $0x4  }
0x197: {  	[tilespmem:s2+$0xA158] =	vst.add.f32.msk @!p1 $0xffff, v1  }
0x198: {  	v1 =	vld @!p1 [tilespmem:$0xA0F8];
	_ =	sdelay $0x4  }
0x199: {  	[tilespmem:s2+$0xA168] =	vst.add.f32.msk @!p1 $0xffff, v1  }
0x19a: {  	s0 =	sshrl.u32 s0, $0x2;
	[tilespmem:s6+$0xA118] =	vst.msk $0x1, v0  }
0x19b: {  	v0 =	vld [tilespmem:s0+$0xA138];
	_ =	sdelay $0x2  }
0x19c: {  	s31 =	sshll.u32 s6, $0x8  }
0x19d: {  	s2 =	sshra.s32 s31, $0x2  }
0x19e: {  	[tilespmem:s2+$0xA138] =	vst v0  }
0x19f: {  	v0 =	vld [tilespmem:s0+$0xA148];
	_ =	sdelay $0x4  }
0x1a0: {  	[tilespmem:s2+$0xA148] =	vst v0  }
0x1a1: {  	v0 =	vld [tilespmem:s0+$0xA158];
	_ =	sdelay $0x4  }
0x1a2: {  	[tilespmem:s2+$0xA158] =	vst v0  }
0x1a3: {  	v0 =	vld [tilespmem:s0+$0xA168];
	_ =	sdelay $0x4  }
0x1a4: {  	s6 =	sadd.s32 $0x1, s6;
	[tilespmem:s2+$0xA168] =	vst v0  }
.LBB2_37:
0x1a5: {  	s11 =	sadd.s32 $0x1, s11  }
0x1a6: {  	p1 =	sne.s32 s11, $0x20  }
.Ltmp22:
0x1a7: {  	_ = 	snop;
	(pc) =	sbr.rel @!p1 .LBB2_38-.Ltmp22, $1  }
0x1a8: {  	_ =	sdelay $0x3  }
.LBB2_30:
0x1a9: {  	v0 =	vld.msk [tilespmem:s11+$0xA118], $0x1;
	_ =	sdelay $0x4  }
0x1aa: {  	(v2sf) =	vpush v0, $0x0;
	_ =	sdelay $0xe  }
0x1ab: {  	s0 =	spop (v2sf)  }
0x1ac: {  	p1 =	seq.s32 s0, $0xFFFFFFFF  }
.Ltmp23:
0x1ad: {  	_ = 	snop;
	(pc) =	sbr.rel @p1 .LBB2_37-.Ltmp23, $1  }
0x1ae: {  	_ =	sdelay $0x3  }
0x1af: {  	p1 =	slt.s32 s6, $0x1  }
.Ltmp24:
0x1b0: {  	_ = 	snop;
	(pc) =	sbr.rel @p1 .LBB2_36-.Ltmp24, $1  }
0x1b1: {  	_ =	sdelay $0x3  }
0x1b2: {  	s2 =	simm.s32 $0xA118;
	p1 =	por $0x0, $0x0  }
0x1b3: {  	v1 =	vld.msk @!p1 [tilespmem:s2+$0x0], $0x1;
	_ =	sdelay $0x4  }
0x1b4: {  	(v2sf) =	vpush @!p1 v1, $0x0;
	_ =	sdelay $0xd  }
0x1b5: {  	p3 =	sne.s32 s6, $0x1  }
.Ltmp25:
0x1b6: {  	s3 =	spop @!p1 (v2sf);
	(pc) =	sbr.rel @!p3 .LBB2_34-.Ltmp25, $4  }
0x1b7: {  	p2 =	seq.s32 @!p1 s0, s3  }
0x1b8: {  	s3 =	simm.s32 $0x0;
	p2 =	por !p2, p1  }
0x1b9: {  	s5 =	simm.s32 $0xFFFFFFFF;
	s3 =	simm.s32 @p2 $0xFFFFFFFF  }
0x1ba: {  	s4 =	simm.s32 $0x1;
	s3 =	smov.u32 @p1 s5  }
.LBB2_33:
0x1bb: {  	s5 =	smov.u32 s3;
	p1 =	sne.s32 s3, $0xFFFFFFFF  }
0x1bc: {  	s2 =	sadd.s32 $0x1, s2;
	s3 =	smov.u32 s4;
	s4 =	sadd.s32 $0x1, s4  }
0x1bd: {  	p2 =	sne.s32 s6, s4;
	v1 =	vld.msk @!p1 [tilespmem:s2+$0x0], $0x1;
	_ =	sdelay $0x4  }
0x1be: {  	(v2sf) =	vpush @!p1 v1, $0x0;
	_ =	sdelay $0xe  }
.Ltmp26:
0x1bf: {  	s12 =	spop @!p1 (v2sf);
	(pc) =	sbr.rel @p2 .LBB2_33-.Ltmp26, $4  }
0x1c0: {  	p3 =	seq.s32 @!p1 s0, s12  }
0x1c1: {  	p3 =	por !p3, p1  }
0x1c2: {  	s3 =	simm.s32 @p3 $0xFFFFFFFF  }
0x1c3: {  	s3 =	smov.u32 @p1 s5  }
.LBB2_34:
0x1c4: {  	p1 =	seq.s32 s3, $0xFFFFFFFF  }
.Ltmp27:
0x1c5: {  	_ = 	snop;
	(pc) =	sbr.rel @p1 .LBB2_36-.Ltmp27, $1  }
0x1c6: {  	_ =	sdelay $0x3  }
0x1c7: {  	s0 =	sshll.u32 s11, $0x6  }
0x1c8: {  	s0 =	sand.u32 $0x3FFFFFC0, s0  }
0x1c9: {  	v0 =	vld [tilespmem:s0+$0xA138];
	_ =	sdelay $0x2  }
0x1ca: {  	s2 =	sshll.u32 s3, $0x8  }
0x1cb: {  	s2 =	sshra.s32 s2, $0x2  }
0x1cc: {  	[tilespmem:s2+$0xA138] =	vst.add.f32.msk $0xffff, v0  }
0x1cd: {  	v0 =	vld [tilespmem:s0+$0xA148];
	_ =	sdelay $0x4  }
0x1ce: {  	[tilespmem:s2+$0xA148] =	vst.add.f32.msk $0xffff, v0  }
0x1cf: {  	v0 =	vld [tilespmem:s0+$0xA158];
	_ =	sdelay $0x4  }
0x1d0: {  	[tilespmem:s2+$0xA158] =	vst.add.f32.msk $0xffff, v0  }
0x1d1: {  	v0 =	vld [tilespmem:s0+$0xA168]  }
.Ltmp28:
0x1d2: {  	_ = 	snop;
	(pc) =	sbr.rel .LBB2_37-.Ltmp28, $2  }
0x1d3: {  	_ =	sdelay $0x2  }
0x1d4: {  	[tilespmem:s2+$0xA168] =	vst.add.f32.msk $0xffff, v0  }
.LBB2_38:
0x1d5: {  	s0 =	simm.s32 $0x6;
	p1 =	seq.s32 s6, $0x0  }
0x1d6: {  	[sflag:s0] =	ssyncpa.u1 $0x1;
	v0 =	vimm.s32 @p1 $0xFFFFFFFF  }
0x1d7: {  	s0 =	sadd.s32 $0xFFFFFFFF, s6;
	[tilespmem:$0xA938] =	vst @p1 v0  }
0x1d8: {  	v0 =	vld.msk @!p1 [tilespmem:s0+$0xA118], $0x1;
	_ =	sdelay $0x1  }
0x1d9: {  	v1 =	vld.msk @!p1 [tilespmem:$0xA118], $0x1;
	_ =	sdelay $0x2  }
0x1da: {  	p2 =	seq.s32 @!p1 s0, $0x0;
	v0 =	vbroadcast @!p1 v0, $0x0  }
0x1db: {  	vm0 =	vmmov @!p1 $0x1;
	p2 =	por !p2, p1  }
0x1dc: {  	v1 =	vnsel @!p1 vm0, $0xFFFFFFFF, v1;
	vm0 =	vcmask @!p1 $0x308;
	v0 =	vpsel !p2, $0xFFFFFFFF, v0  }
0x1dd: {  	p2 =	sne.s32 @!p1 s8, s7;
	v0 =	vsel @!p1 vm0, v1, v0  }
0x1de: {  	s2 =	simm.s32 @!p1 $0xA138;
	s3 =	simm.s32 @!p1 $0x0;
	p3 =	por !p2, p1;
	[tilespmem:$0xA938] =	vst @!p1 v0  }
0x1df: {  	[spmem:s3] =	stream.linear.scatter @!p1 [tilespmem:s2], [sflag:$0x1], $0x40, $0x38;
	[tilespmem:$0x1EF88] =	vst v63  }
0x1e0: {  	s2 =	sshll.u32 @!p3 s0, $0x8  }
0x1e1: {  	s2 =	sshra.s32 @!p3 s2, $0x2  }
0x1e2: {  	s3 =	simm.s32 @!p3 $0x40;
	s2 =	sadd.s32 @!p3 $0xA138, s2  }
0x1e3: {  	[spmem:s3] =	stream.linear.scatter @!p3 [tilespmem:s2], [sflag:$0x1], $0x40, $0x38;
	[tilespmem:$0x1EF88] =	vst v63  }
0x1e4: {  	s2 =	simm.s32 @!p3 $0x1  }
0x1e5: {  	_ =	swait.ge @!p3 [sflag:s2], $0x80  }
0x1e6: {  	p1 =	por p2, p1;
	[sflag:s2] =	ssyncset.done @!p3 $0x0  }
0x1e7: {  	[sflag:s2] =	ssyncadd.s32 @!p3 $0xFFFFFF80;
	s2 =	simm.s32 @!p1 $0x1  }
0x1e8: {  	_ =	swait.ge @!p1 [sflag:s2], $0x40  }
0x1e9: {  	s29 =	simm.s32 $0xA938;
	[sflag:s2] =	ssyncset.done @!p1 $0x0  }
0x1ea: {  	s30 =	simm.s32 $0x800;
	s31 =	simm.s32 $0x1;
	[sflag:s2] =	ssyncadd.s32 @!p1 $0xFFFFFFC0  }
0x1eb: {  	[spmem:s30] =	stream.linear.scatter [tilespmem:s29], [sflag:$0x1], $0x10, $0x38;
	[tilespmem:$0x1EF88] =	vst v63  }
0x1ec: {  	_ =	swait.ge [sflag:s31], $0x10  }
0x1ed: {  	[sflag:s31] =	ssyncset.done $0x0  }
0x1ee: {  	p1 =	seq.s32 s13, $0x0;
	s9 =	rddreg [dreg:$0x1];
	[sflag:s31] =	ssyncadd.s32 $0xFFFFFFF0  }
0x1ef: {  	s3 =	sshll.u32 @p1 s9, $0xE;
	s8 =	rddreg [dreg:$0x2]  }
0x1f0: {  	s2 =	sadd.s32 @p1 $0x15C3C, s3;
	s3 =	sshll.u32 @p1 s8, $0x11  }
0x1f1: {  	_ =	sfence.stream.spmem;
	s2 =	sor.u32 @p1 s3, s2  }
0x1f2: {  	[sflag:s2] =	ssyncadd.remote.s32 @p1 $0x1;
	s2 =	simm.s32 @p1 $0x4  }
0x1f3: {  	s4 =	simm.s32 @!p1 $0x3C;
	s3 =	sand.u32 $0xFFFFFFFE, s9;
	_ =	swait.ge @p1 [sflag:s2], $0x12  }
0x1f4: {  	s5 =	simm.s32 @!p1 $0x0;
	s3 =	sadd.s32 @!p1 $0x4, s3;
	[sflag:s2] =	ssyncset.done @p1 $0x0  }
0x1f5: {  	s7 =	simm.s32 @!p1 $0x80;
	[sflag:s2] =	ssyncadd.s32 @p1 $0xFFFFFFEE;
	s2 =	sshll.u32 @!p1 s3, $0x1A  }
0x1f6: {  	s3 =	sshll.u32 @!p1 s3, $0xD;
	s2 =	sor.u32 @!p1 s2, s8;
	_ =	swait.eq @!p1 [sflag:s4], $0x1  }
0x1f7: {  	s3 =	sor.u32 @!p1 $0x1C04, s3;
	s4 =	simm.s32 @!p1 $0x1C03;
	s2 =	sor.u32 @!p1 $0x80004000, s2  }
0x1f8: {  	[spmem:s7], [sflag:s3] =	dma.general @!p1 [spmem:s5], [sflag:s4], length:$0x10, [dreg:$0x0], stride_count:$0x0, ici_dest:s2, dma_misc:DstOpCode:WRITE  }
0x1f9: {  	p2 =	slt.s32 s0, $0x2;
	s5 =	simm.s32 @!p1 $0x100;
	s7 =	simm.s32 @!p1 $0x102  }
0x1fa: {  	[spmem:s7], [sflag:s3] =	dma.general @!p1 [spmem:s5], [sflag:s4], length:$0x2, [dreg:$0x0], stride_count:$0x0, ici_dest:s2, dma_misc:DstOpCode:WRITE  }
.Ltmp29:
0x1fb: {  	s2 =	simm.s32 @!p1 $0x3;
	(pc) =	sbr.rel @p2 .LBB2_42-.Ltmp29, $4  }
0x1fc: {  	s3 =	sshll.u32 @!p1 s9, $0xE;
	_ =	swait.ge @!p1 [sflag:s2], $0x12  }
0x1fd: {  	s4 =	sshll.u32 @!p1 s8, $0x11;
	s3 =	sadd.s32 @!p1 $0x11C3C, s3;
	[sflag:s2] =	ssyncset.done @!p1 $0x0  }
0x1fe: {  	[sflag:s2] =	ssyncadd.s32 @!p1 $0xFFFFFFEE;
	s2 =	sor.u32 @!p1 s4, s3  }
0x1ff: {  	s0 =	simm.s32 $0x0;
	[sflag:s2] =	ssyncadd.remote.s32 @!p1 $0xFFFFFFFF  }
0x200: {  	s0 =	simm.s32 $0xA119  }
0x201: {  	v0 =	vld.msk [tilespmem:s0+$0x0], $0x1;
	_ =	sdelay $0x4  }
0x202: {  	(v2sf) =	vpush v0, $0x0;
	_ =	sdelay $0xc  }
0x203: {  	s2 =	sadd.s32 $0xFFFFFFFE, s6  }
0x204: {  	s2 =	sadd.s32 $0xFFFFFFFF, s2  }
0x205: {  	p2 =	sne.s32 s2, $0x0;
	s3 =	spop (v2sf)  }
.Ltmp30:
0x206: {  	p1 =	sgt.u32 s3, $0x270F8;
	(pc) =	sbr.rel @!p2 .LBB2_41-.Ltmp30, $4  }
0x207: {  	s5 =	simm.s32 $0x0;
	s4 =	sand.u32 @!p1 $0x3FFF8, s3  }
0x208: {  	s0 =	simm.s32 $0xA178;
	s3 =	sand.u32 @!p1 $0x7, s3;
	s4 =	sadd.s32 @!p1 s1, s4  }
0x209: {  	[hbm4b:s4+s3] =	stream.linear.scatter @!p1 [tilespmem:s0], [sflag:$0x5], $0x40, $0x38;
	[tilespmem:$0x1EF88] =	vst v63  }
0x20a: {  	s5 =	simm.s32 @!p1 $0x100;
	s3 =	simm.s32 $0x0;
	s4 =	simm.s32 $0xA11A  }
.LBB2_40:
0x20b: {  	v0 =	vld.msk [tilespmem:s4+$0x0], $0x1;
	s2 =	sadd.s32 $0xFFFFFFFF, s2;
	s3 =	sadd.s32 s3, s5  }
0x20c: {  	p1 =	sne.s32 s2, $0x0;
	_ =	sdelay $0x3  }
0x20d: {  	(v2sf) =	vpush v0, $0x0;
	_ =	sdelay $0xe  }
.Ltmp31:
0x20e: {  	s6 =	spop (v2sf);
	(pc) =	sbr.rel @p1 .LBB2_40-.Ltmp31, $4  }
0x20f: {  	s5 =	simm.s32 $0x0;
	p2 =	sgt.u32 s6, $0x270F8  }
0x210: {  	s0 =	sadd.s32 $0x40, s0;
	s5 =	simm.s32 @!p2 $0x100;
	s7 =	sand.u32 @!p2 $0x3FFF8, s6  }
0x211: {  	s4 =	sadd.s32 $0x1, s4;
	s6 =	sand.u32 @!p2 $0x7, s6;
	s7 =	sadd.s32 @!p2 s1, s7  }
0x212: {  	[hbm4b:s7+s6] =	stream.linear.scatter @!p2 [tilespmem:s0], [sflag:$0x5], $0x40, $0x38;
	[tilespmem:$0x1EF88] =	vst v63  }
.LBB2_41:
0x213: {  	s0 =	sadd.s32 s3, s5  }
0x214: {  	s0 =	sshrl.u32 s0, $0x2  }
.LBB2_42:
0x215: {  	s2 =	simm.s32 $0x5  }
0x216: {  	_ =	swait.ge [sflag:s2], s0  }
0x217: {  	s31 =	ssub.s32 $0x0, s0;
	[sflag:s2] =	ssyncset.done $0x0  }
0x218: {  	[sflag:s2] =	ssyncadd.s32 s31  }
0x219: {  	[sflag:s2] =	ssyncpa.u1 $0x1  }
.LBB2_43:
0x21a: {  	s0 =	sor.u32 s13, s14  }
0x21b: {  	p1 =	sne.s32 s0, $0x0  }
.Ltmp32:
0x21c: {  	_ = 	snop;
	(pc) =	sbr.rel @p1 .LBB2_58-.Ltmp32, $3  }
0x21d: {  	_ =	sdelay $0x1  }
0x21e: {  	[bflag:$0x0] =	sbarrier.arrive $0xFFFF  }
0x21f: {  	_ =	sfence  }
0x220: {  	s0 =	simm.s32 $0x7  }
0x221: {  	s2 =	simm.s32 $0x800;
	s3 =	simm.s32 $0xA118;
	[sflag:s0] =	ssyncpa.u1 $0x0  }
0x222: {  	[tilespmem:s3], [sflag:$0x7] =	stream.linear.gather [spmem:s2], $0x20, $0x38;
	[tilespmem:$0x1EF88] =	vst v63  }
0x223: {  	s30 =	simm.s32 $0xA138;
	s2 =	simm.s32 $0x0  }
0x224: {  	[tilespmem:s30], [sflag:$0x7] =	stream.linear.gather [spmem:s2], $0x800, $0x38;
	[tilespmem:$0x1EF88] =	vst v63  }
.Ltmp33:
0x225: {  	_ = 	snop;
	(pc) =	sbr.rel .LBB2_45-.Ltmp33, $4  }
0x226: {  	_ =	swait.ge [sflag:s0], $0x820  }
0x227: {  	[sflag:s0] =	ssyncset.done $0x0  }
0x228: {  	s31 =	simm.s32 $0x8;
	[sflag:s0] =	ssyncadd.s32 $0xFFFFF7E0  }
0x229: {  	s3 =	simm.s32 $0x0;
	[sflag:s31] =	ssyncpa.u1 $0x0  }
.LBB2_51:
0x22a: {  	p1 =	slt.u32 s0, $0x270F9  }
0x22b: {  	s4 =	sand.u32 @p1 $0x3FFF8, s0  }
0x22c: {  	s0 =	sand.u32 @p1 $0x7, s0;
	s5 =	simm.s32 @p1 $0xA0C8;
	s4 =	sadd.s32 @p1 s1, s4  }
0x22d: {  	[tilespmem:s5], [sflag:$0x8] =	stream.linear.gather @p1 [hbm4b:s4+s0], $0x40, $0x38;
	[tilespmem:$0x1EF88] =	vst v63  }
0x22e: {  	s0 =	simm.s32 @p1 $0x8  }
0x22f: {  	_ =	swait.ge @p1 [sflag:s0], $0x40  }
0x230: {  	[sflag:s0] =	ssyncset.done @p1 $0x0  }
0x231: {  	[sflag:s0] =	ssyncadd.s32 @p1 $0xFFFFFFC0  }
0x232: {  	v1 =	vld @p1 [tilespmem:$0xA0C8];
	_ =	sdelay $0x2  }
0x233: {  	s0 =	sshll.u32 @p1 s3, $0x8  }
0x234: {  	s4 =	sshrl.u32 @p1 s0, $0x2  }
0x235: {  	[tilespmem:s4+$0xA138] =	vst.add.f32.msk @p1 $0xffff, v1  }
0x236: {  	v1 =	vld @p1 [tilespmem:$0xA0D8];
	_ =	sdelay $0x4  }
0x237: {  	[tilespmem:s4+$0xA148] =	vst.add.f32.msk @p1 $0xffff, v1  }
0x238: {  	v1 =	vld @p1 [tilespmem:$0xA0E8];
	_ =	sdelay $0x4  }
0x239: {  	[tilespmem:s4+$0xA158] =	vst.add.f32.msk @p1 $0xffff, v1  }
0x23a: {  	v1 =	vld @p1 [tilespmem:$0xA0F8];
	_ =	sdelay $0x3  }
0x23b: {  	s5 =	sshll.u32 @!p1 s3, $0x8  }
0x23c: {  	s5 =	smov.u32 @p1 s0;
	[tilespmem:s4+$0xA168] =	vst.add.f32.msk @p1 $0xffff, v1  }
0x23d: {  	s0 =	sshrl.u32 s5, $0x2;
	[tilespmem:s2+$0xA118] =	vst.msk $0x1, v0  }
0x23e: {  	v0 =	vld [tilespmem:s0+$0xA138];
	_ =	sdelay $0x2  }
0x23f: {  	s31 =	sshll.u32 s2, $0x8  }
0x240: {  	s4 =	sshra.s32 s31, $0x2  }
0x241: {  	[tilespmem:s4+$0xA138] =	vst v0  }
0x242: {  	v0 =	vld [tilespmem:s0+$0xA148];
	_ =	sdelay $0x4  }
0x243: {  	[tilespmem:s4+$0xA148] =	vst v0  }
0x244: {  	v0 =	vld [tilespmem:s0+$0xA158];
	_ =	sdelay $0x4  }
0x245: {  	[tilespmem:s4+$0xA158] =	vst v0  }
0x246: {  	v0 =	vld [tilespmem:s0+$0xA168];
	_ =	sdelay $0x4  }
0x247: {  	s2 =	sadd.s32 $0x1, s2;
	[tilespmem:s4+$0xA168] =	vst v0  }
.LBB2_52:
0x248: {  	s3 =	sadd.s32 $0x1, s3  }
0x249: {  	p1 =	sne.s32 s3, $0x20  }
.Ltmp34:
0x24a: {  	_ = 	snop;
	(pc) =	sbr.rel @!p1 .LBB2_53-.Ltmp34, $1  }
0x24b: {  	_ =	sdelay $0x3  }
.LBB2_45:
0x24c: {  	v0 =	vld.msk [tilespmem:s3+$0xA118], $0x1;
	_ =	sdelay $0x4  }
0x24d: {  	(v2sf) =	vpush v0, $0x0;
	_ =	sdelay $0xe  }
0x24e: {  	s0 =	spop (v2sf)  }
0x24f: {  	p1 =	seq.s32 s0, $0xFFFFFFFF  }
.Ltmp35:
0x250: {  	_ = 	snop;
	(pc) =	sbr.rel @p1 .LBB2_52-.Ltmp35, $1  }
0x251: {  	_ =	sdelay $0x3  }
0x252: {  	p1 =	slt.s32 s2, $0x1  }
.Ltmp36:
0x253: {  	_ = 	snop;
	(pc) =	sbr.rel @p1 .LBB2_51-.Ltmp36, $1  }
0x254: {  	_ =	sdelay $0x3  }
0x255: {  	s4 =	simm.s32 $0xA118;
	p1 =	por $0x0, $0x0  }
0x256: {  	v1 =	vld.msk @!p1 [tilespmem:s4+$0x0], $0x1;
	_ =	sdelay $0x4  }
0x257: {  	(v2sf) =	vpush @!p1 v1, $0x0;
	_ =	sdelay $0xd  }
0x258: {  	p3 =	sne.s32 s2, $0x1  }
.Ltmp37:
0x259: {  	s5 =	spop @!p1 (v2sf);
	(pc) =	sbr.rel @!p3 .LBB2_49-.Ltmp37, $4  }
0x25a: {  	p2 =	seq.s32 @!p1 s0, s5  }
0x25b: {  	s5 =	simm.s32 $0x0;
	p2 =	por !p2, p1  }
0x25c: {  	s7 =	simm.s32 $0xFFFFFFFF;
	s5 =	simm.s32 @p2 $0xFFFFFFFF  }
0x25d: {  	s6 =	simm.s32 $0x1;
	s5 =	smov.u32 @p1 s7  }
.LBB2_48:
0x25e: {  	s7 =	smov.u32 s5;
	p1 =	sne.s32 s5, $0xFFFFFFFF  }
0x25f: {  	s4 =	sadd.s32 $0x1, s4;
	s5 =	smov.u32 s6;
	s6 =	sadd.s32 $0x1, s6  }
0x260: {  	p2 =	sne.s32 s2, s6;
	v1 =	vld.msk @!p1 [tilespmem:s4+$0x0], $0x1;
	_ =	sdelay $0x4  }
0x261: {  	(v2sf) =	vpush @!p1 v1, $0x0;
	_ =	sdelay $0xe  }
.Ltmp38:
0x262: {  	s8 =	spop @!p1 (v2sf);
	(pc) =	sbr.rel @p2 .LBB2_48-.Ltmp38, $4  }
0x263: {  	p3 =	seq.s32 @!p1 s0, s8  }
0x264: {  	p3 =	por !p3, p1  }
0x265: {  	s5 =	simm.s32 @p3 $0xFFFFFFFF  }
0x266: {  	s5 =	smov.u32 @p1 s7  }
.LBB2_49:
0x267: {  	p1 =	seq.s32 s5, $0xFFFFFFFF  }
.Ltmp39:
0x268: {  	_ = 	snop;
	(pc) =	sbr.rel @p1 .LBB2_51-.Ltmp39, $1  }
0x269: {  	_ =	sdelay $0x3  }
0x26a: {  	s0 =	sshll.u32 s3, $0x6  }
0x26b: {  	s0 =	sand.u32 $0x3FFFFFC0, s0  }
0x26c: {  	v0 =	vld [tilespmem:s0+$0xA138];
	_ =	sdelay $0x2  }
0x26d: {  	s4 =	sshll.u32 s5, $0x8  }
0x26e: {  	s4 =	sshra.s32 s4, $0x2  }
0x26f: {  	[tilespmem:s4+$0xA138] =	vst.add.f32.msk $0xffff, v0  }
0x270: {  	v0 =	vld [tilespmem:s0+$0xA148];
	_ =	sdelay $0x4  }
0x271: {  	[tilespmem:s4+$0xA148] =	vst.add.f32.msk $0xffff, v0  }
0x272: {  	v0 =	vld [tilespmem:s0+$0xA158];
	_ =	sdelay $0x4  }
0x273: {  	[tilespmem:s4+$0xA158] =	vst.add.f32.msk $0xffff, v0  }
0x274: {  	v0 =	vld [tilespmem:s0+$0xA168]  }
.Ltmp40:
0x275: {  	_ = 	snop;
	(pc) =	sbr.rel .LBB2_52-.Ltmp40, $2  }
0x276: {  	_ =	sdelay $0x2  }
0x277: {  	[tilespmem:s4+$0xA168] =	vst.add.f32.msk $0xffff, v0  }
.LBB2_53:
0x278: {  	p1 =	slt.s32 s2, $0x1  }
.Ltmp41:
0x279: {  	_ = 	snop;
	(pc) =	sbr.rel @p1 .LBB2_57-.Ltmp41, $3  }
0x27a: {  	_ =	sdelay $0x1  }
0x27b: {  	s0 =	simm.s32 $0x8  }
0x27c: {  	[sflag:s0] =	ssyncpa.u1 $0x1;
	s0 =	simm.s32 $0x0  }
0x27d: {  	s3 =	simm.s32 $0xA118  }
0x27e: {  	v0 =	vld.msk [tilespmem:s3+$0x0], $0x1;
	_ =	sdelay $0x4  }
0x27f: {  	(v2sf) =	vpush v0, $0x0;
	_ =	sdelay $0xe  }
0x280: {  	s2 =	sadd.s32 $0xFFFFFFFF, s2;
	s4 =	spop (v2sf)  }
0x281: {  	p2 =	sne.s32 s2, $0x0;
	p1 =	sgt.u32 s4, $0x270F8  }
.Ltmp42:
0x282: {  	s5 =	sand.u32 @!p1 $0x3FFF8, s4;
	(pc) =	sbr.rel @!p2 .LBB2_56-.Ltmp42, $4  }
0x283: {  	s3 =	simm.s32 $0xA138;
	s4 =	sand.u32 @!p1 $0x7, s4;
	s5 =	sadd.s32 @!p1 s1, s5  }
0x284: {  	[hbm4b:s5+s4] =	stream.linear.scatter @!p1 [tilespmem:s3], [sflag:$0x7], $0x40, $0x38;
	[tilespmem:$0x1EF88] =	vst v63  }
0x285: {  	s5 =	simm.s32 $0x0  }
0x286: {  	s4 =	simm.s32 $0xA119;
	s5 =	simm.s32 @!p1 $0x100  }
.LBB2_55:
0x287: {  	v0 =	vld.msk [tilespmem:s4+$0x0], $0x1;
	s2 =	sadd.s32 $0xFFFFFFFF, s2;
	s0 =	sadd.s32 s0, s5  }
0x288: {  	p1 =	sne.s32 s2, $0x0;
	_ =	sdelay $0x3  }
0x289: {  	(v2sf) =	vpush v0, $0x0;
	_ =	sdelay $0xe  }
.Ltmp43:
0x28a: {  	s6 =	spop (v2sf);
	(pc) =	sbr.rel @p1 .LBB2_55-.Ltmp43, $4  }
0x28b: {  	s5 =	simm.s32 $0x0;
	p2 =	sgt.u32 s6, $0x270F8  }
0x28c: {  	s3 =	sadd.s32 $0x40, s3;
	s5 =	simm.s32 @!p2 $0x100;
	s7 =	sand.u32 @!p2 $0x3FFF8, s6  }
0x28d: {  	s4 =	sadd.s32 $0x1, s4;
	s6 =	sand.u32 @!p2 $0x7, s6;
	s7 =	sadd.s32 @!p2 s1, s7  }
0x28e: {  	[hbm4b:s7+s6] =	stream.linear.scatter @!p2 [tilespmem:s3], [sflag:$0x7], $0x40, $0x38;
	[tilespmem:$0x1EF88] =	vst v63  }
.LBB2_56:
0x28f: {  	s0 =	sadd.s32 s0, s5  }
0x290: {  	s0 =	sshrl.u32 s0, $0x2  }
.LBB2_57:
0x291: {  	s1 =	simm.s32 $0x7  }
0x292: {  	_ =	swait.ge [sflag:s1], s0  }
0x293: {  	s31 =	ssub.s32 $0x0, s0;
	[sflag:s1] =	ssyncset.done $0x0  }
0x294: {  	[sflag:s1] =	ssyncadd.s32 s31  }
0x295: {  	[sflag:s1] =	ssyncpa.u1 $0x1  }
.LBB2_58:
0x296: {  	_ =	sfence;
	s0 =	simm.s32 $0x1  }
0x297: {  	[sflag:s0] =	ssyncpa.u1 $0x1  }
0x298: {  	_ =	strace $0x9000004A  }
0x299: {  	[bflag:$0x2] =	sbarrier.arrive $0xFFFF  }
0x29a: {  	s0 =	rddreg [dreg:$0x3]  }
0x29b: {  	s0 =	sadd.s32 @!p0 $0x100000, s0  }
0x29c: {  	[sflag:s0] =	ssyncadd.tile.s32 @!p0 $0x1;
	_ =	shalt  }
.Lfunc_end2:
_tile_overlayer_lowered:
.L_overlay_start_2:
0x29d: {  	(tag) =	ssettag $0x2  }
0x29e: {  	s0 =	rddreg [dreg:$0x0];
	s2 =	stileid.u32  }
0x29f: {  	s1 =	rddreg [dreg:$0x1];
	p0 =	sne.s32 s2, $0x0  }
0x2a0: {  	s3 =	rddreg [dreg:$0x2];
	[bflag:$0x3] =	sbarrier.arrive $0xFFFF;
	s2 =	simm.s32 @!p0 $0x1C01  }
0x2a1: {  	[timem:s3], [sflag:s2] =	dma.local @!p0 [hbm:s0], s1  }
0x2a2: {  	s0 =	simm.s32 @!p0 $0x1  }
0x2a3: {  	_ =	swait.ge @!p0 [sflag:s0], s1  }
0x2a4: {  	s1 =	ssub.s32 @!p0 $0x0, s1;
	[sflag:s0] =	ssyncset.done @!p0 $0x0  }
0x2a5: {  	[sflag:s0] =	ssyncadd.s32 @!p0 s1  }
0x2a6: {  	[bflag:$0x3] =	sbarrier.arrive $0xFFFF  }
0x2a7: {  	_ =	shalt  }

</sc_bundles>
